<compile_context>
chip_gen: v7x
topology: tpu7x:2x2x1
jax: 0.10.2.dev20260603
libtpu: 0.0.44.dev20260713+nightly
codegen_flags: <defaults>
</compile_context>

<pallas_src>
import jax
import jax.numpy as jnp
from jax import lax
from jax.experimental import pallas as pl
from jax.experimental.pallas import tpu as pltpu
from jax.experimental.pallas import tpu_sc as plsc

B = 4096
N = 200
D = 128
TOT = B * N
NC, NS = 2, 16
NW = NC * NS
PER_W = TOT // NW
C = 80
NBUF = 8
NCHUNK = PER_W // C
NGRP = NCHUNK // NBUF


def _sc_body(table_hbm, idx_hbm, out_hbm, table_sh, idx_v, rows_v, gsem, osem):
    sid = lax.axis_index("s")
    wid = sid * NC + lax.axis_index("c")
    base = wid * PER_W

    @pl.when(sid == 0)
    def _():
        pltpu.sync_copy(table_hbm, table_sh)

    pltpu.sync_copy(idx_hbm.at[pl.ds(base, PER_W)], idx_v)
    plsc.subcore_barrier()

    def gather(g, b):
        return pltpu.async_copy(
            table_sh.at[idx_v.at[pl.ds(g * C, C)]], rows_v.at[b], gsem)

    def put(g, b):
        return pltpu.async_copy(
            rows_v.at[b], out_hbm.at[pl.ds(base + g * C, C)], osem)

    def wait_put(b):
        pltpu.make_async_copy(
            rows_v.at[b], out_hbm.at[pl.ds(base, C)], osem).wait()

    hs = [gather(b, b) for b in range(NBUF)]
    for b in range(NBUF):
        hs[b].wait()
        put(b, b)

    @pl.loop(1, NGRP)
    def _(i):
        g0 = i * NBUF
        hs = []
        for b in range(NBUF):
            wait_put(b)
            hs.append(gather(g0 + b, b))
        for b in range(NBUF):
            hs[b].wait()
            put(g0 + b, b)

    for b in range(NBUF):
        wait_put(b)


def kernel(x, table):
    idx = x.reshape(TOT).astype(jnp.int32)
    mesh = plsc.VectorSubcoreMesh(core_axis_name="c", subcore_axis_name="s")
    fn = pl.kernel(
        _sc_body,
        out_type=jax.ShapeDtypeStruct((TOT, D), jnp.float32),
        mesh=mesh,
        scratch_types=[
            pltpu.VMEM_SHARED((15, D), jnp.float32),
            pltpu.VMEM((PER_W,), jnp.int32),
            pltpu.VMEM((NBUF, C, D), jnp.float32),
            pltpu.SemaphoreType.DMA,
            pltpu.SemaphoreType.DMA,
        ],
    )
    out = fn(table, idx)
    return out.reshape(B, N, D)

# --- scband reference (transcript-rebuilt; emitter-appended) ---
"""Pipeline reference for scband-node-embedding-70282844832392 (READ-ONLY COPY).

The authoritative reference and input builder live on the scoring server;
editing this copy changes nothing except your own understanding.
"""

import jax, jax.numpy as jnp
import numpy as np

NODE_VOCAB_SIZE = 15
D_MODEL = 128
B = 4096
N_NODES = 200

def setup_inputs(seed: int = 0) -> dict:
    key = jax.random.key(seed)
    k1, k2 = jax.random.split(key)
    x = jax.random.randint(k1, (B, N_NODES), 0, NODE_VOCAB_SIZE, dtype=jnp.int64 if jax.config.jax_enable_x64 else jnp.int32)
    table = jax.random.normal(k2, (NODE_VOCAB_SIZE, D_MODEL), dtype=jnp.float32)
    return {"x": x, "table": table}

def reference(x, table):
    # nn.Embedding forward: gather rows of the embedding table by index
    return jnp.take(table, x, axis=0)

if __name__ == "__main__":
    import jax
    _d = setup_inputs()
    print(jax.jit(kernel)(*tuple(_d.values())))

</pallas_src>

<mosaic_0001>
#map = affine_map<(d0, d1) -> (0, 0)>
#map1 = affine_map<(d0, d1) -> (0)>
module attributes {stable_mosaic.version = 14 : i64} {
  func.func @_sc_body(%arg0: i32, %arg1: i32, %arg2: memref<15x128xf32, #tpu.memory_space<hbm>>, %arg3: memref<819200xi32, #tpu.memory_space<hbm>>, %arg4: memref<819200x128xf32, #tpu.memory_space<hbm>>, %arg5: memref<15x128xf32, #tpu.memory_space<vmem_shared>>, %arg6: memref<25600xi32, #tpu.memory_space<vmem>>, %arg7: memref<8x80x128xf32, #tpu.memory_space<vmem>>, %arg8: memref<!tpu.dma_semaphore, #tpu.memory_space<semaphore_mem>>, %arg9: memref<!tpu.dma_semaphore, #tpu.memory_space<semaphore_mem>>) attributes {dimension_semantics = [#tpu.dimension_semantics<core_parallel>, #tpu.dimension_semantics<subcore_parallel>], iteration_bounds = array<i64: 2, 16>, scalar_prefetch = 0 : i64, scratch_operands = 5 : i64, tpu.core_type = #tpu.core_type<sc_vector_subcore>, window_params = [{transform_indices = #map}, {transform_indices = #map1}, {transform_indices = #map}]} {
    %mul3A = arith.constant 2 : i32
    %mul3A_0 = arith.muli %arg1, %mul3A : i32
    %add3A = arith.addi %mul3A_0, %arg0 : i32
    %mul3A_1 = arith.constant 25600 : i32
    %mul3A_2 = arith.muli %add3A, %mul3A_1 : i32
    %eq3A = arith.constant 0 : i32
    %eq3A_3 = arith.cmpi eq, %arg1, %eq3A : i32
    %convert_element_type3A = arith.extui %eq3A_3 : i1 to i32
    %cond3A = arith.constant 0 : i32
    %cond3A_4 = arith.cmpi ne, %convert_element_type3A, %cond3A : i32
    scf.if %cond3A_4 {
      "tpu.region"() ({
        %run_scoped3A = tpu.sem_alloc : memref<!tpu.dma_semaphore, #tpu.memory_space<semaphore_mem>>
        tpu.enqueue_dma source(%arg2 : memref<15x128xf32, #tpu.memory_space<hbm>>) target(%arg5 : memref<15x128xf32, #tpu.memory_space<vmem_shared>>) target_semaphore(%run_scoped3A : memref<!tpu.dma_semaphore, #tpu.memory_space<semaphore_mem>>)
        tpu.wait_dma2 semaphore(%run_scoped3A : memref<!tpu.dma_semaphore, #tpu.memory_space<semaphore_mem>>) src(%arg2 : memref<15x128xf32, #tpu.memory_space<hbm>>) dst(%arg5 : memref<15x128xf32, #tpu.memory_space<vmem_shared>>)
        tpu.yield
      }) : () -> ()
    } else {
    }
    "tpu.region"() ({
      %run_scoped3A = tpu.sem_alloc : memref<!tpu.dma_semaphore, #tpu.memory_space<semaphore_mem>>
      %dma_start3A_391 = tpu.memref_slice %arg3[%mul3A_2] : memref<819200xi32, #tpu.memory_space<hbm>> -> memref<25600xi32, #tpu.memory_space<hbm>>
      %dma_start3A_392 = tpu.memref_slice %arg3[%mul3A_2] : memref<819200xi32, #tpu.memory_space<hbm>> -> memref<25600xi32, #tpu.memory_space<hbm>>
      tpu.enqueue_dma source(%dma_start3A_392 : memref<25600xi32, #tpu.memory_space<hbm>>) target(%arg6 : memref<25600xi32, #tpu.memory_space<vmem>>) target_semaphore(%run_scoped3A : memref<!tpu.dma_semaphore, #tpu.memory_space<semaphore_mem>>)
      %dma_wait3A_393 = tpu.memref_slice %arg3[%mul3A_2] : memref<819200xi32, #tpu.memory_space<hbm>> -> memref<25600xi32, #tpu.memory_space<hbm>>
      %dma_wait3A_394 = tpu.memref_slice %arg3[%mul3A_2] : memref<819200xi32, #tpu.memory_space<hbm>> -> memref<25600xi32, #tpu.memory_space<hbm>>
      tpu.wait_dma2 semaphore(%run_scoped3A : memref<!tpu.dma_semaphore, #tpu.memory_space<semaphore_mem>>) src(%dma_wait3A_394 : memref<25600xi32, #tpu.memory_space<hbm>>) dst(%arg6 : memref<25600xi32, #tpu.memory_space<vmem>>)
      tpu.yield
    }) : () -> ()
    %barrier3A = arith.constant 0 : index
    tpu.barrier barrier_id(%barrier3A)
    %dma_start3A = arith.constant 0 : i32
    %dma_start3A_5 = arith.constant 0 : i32
    %dma_start3A_6 = arith.constant 0 : i32
    %dma_start3A_7 = tpu.memref_slice %arg7[%dma_start3A, %dma_start3A_5, %dma_start3A_6] : memref<8x80x128xf32, #tpu.memory_space<vmem>> -> memref<1x80x128xf32, #tpu.memory_space<vmem>>
    %dma_start3A_8 = tpu.memref_squeeze %dma_start3A_7 : memref<1x80x128xf32, #tpu.memory_space<vmem>> -> memref<80x128xf32, #tpu.memory_space<vmem>>
    %dma_start3A_9 = arith.constant 0 : i32
    %dma_start3A_10 = tpu.memref_slice %arg6[%dma_start3A_9] : memref<25600xi32, #tpu.memory_space<vmem>> -> memref<80xi32, #tpu.memory_space<vmem>>
    %dma_start3A_11 = arith.constant 0 : i32
    %dma_start3A_12 = arith.constant 0 : i32
    %dma_start3A_13 = tpu.memref_slice %arg5[%dma_start3A_11, %dma_start3A_12] : memref<15x128xf32, #tpu.memory_space<vmem_shared>> -> memref<15x128xf32, #tpu.memory_space<vmem_shared>>
    tpu.enqueue_indirect_dma source(%dma_start3A_13 : memref<15x128xf32, #tpu.memory_space<vmem_shared>>) target(%dma_start3A_8 : memref<80x128xf32, #tpu.memory_space<vmem>>) offsets(%dma_start3A_10 : memref<80xi32, #tpu.memory_space<vmem>>) semaphore(%arg8 : memref<!tpu.dma_semaphore, #tpu.memory_space<semaphore_mem>>)
    %dma_start3A_14 = arith.constant 1 : i32
    %dma_start3A_15 = arith.constant 0 : i32
    %dma_start3A_16 = arith.constant 0 : i32
    %dma_start3A_17 = tpu.memref_slice %arg7[%dma_start3A_14, %dma_start3A_15, %dma_start3A_16] : memref<8x80x128xf32, #tpu.memory_space<vmem>> -> memref<1x80x128xf32, #tpu.memory_space<vmem>>
    %dma_start3A_18 = tpu.memref_squeeze %dma_start3A_17 : memref<1x80x128xf32, #tpu.memory_space<vmem>> -> memref<80x128xf32, #tpu.memory_space<vmem>>
    %dma_start3A_19 = arith.constant 80 : i32
    %dma_start3A_20 = tpu.memref_slice %arg6[%dma_start3A_19] : memref<25600xi32, #tpu.memory_space<vmem>> -> memref<80xi32, #tpu.memory_space<vmem>>
    %dma_start3A_21 = arith.constant 0 : i32
    %dma_start3A_22 = arith.constant 0 : i32
    %dma_start3A_23 = tpu.memref_slice %arg5[%dma_start3A_21, %dma_start3A_22] : memref<15x128xf32, #tpu.memory_space<vmem_shared>> -> memref<15x128xf32, #tpu.memory_space<vmem_shared>>
    tpu.enqueue_indirect_dma source(%dma_start3A_23 : memref<15x128xf32, #tpu.memory_space<vmem_shared>>) target(%dma_start3A_18 : memref<80x128xf32, #tpu.memory_space<vmem>>) offsets(%dma_start3A_20 : memref<80xi32, #tpu.memory_space<vmem>>) semaphore(%arg8 : memref<!tpu.dma_semaphore, #tpu.memory_space<semaphore_mem>>)
    %dma_start3A_24 = arith.constant 2 : i32
    %dma_start3A_25 = arith.constant 0 : i32
    %dma_start3A_26 = arith.constant 0 : i32
    %dma_start3A_27 = tpu.memref_slice %arg7[%dma_start3A_24, %dma_start3A_25, %dma_start3A_26] : memref<8x80x128xf32, #tpu.memory_space<vmem>> -> memref<1x80x128xf32, #tpu.memory_space<vmem>>
    %dma_start3A_28 = tpu.memref_squeeze %dma_start3A_27 : memref<1x80x128xf32, #tpu.memory_space<vmem>> -> memref<80x128xf32, #tpu.memory_space<vmem>>
    %dma_start3A_29 = arith.constant 160 : i32
    %dma_start3A_30 = tpu.memref_slice %arg6[%dma_start3A_29] : memref<25600xi32, #tpu.memory_space<vmem>> -> memref<80xi32, #tpu.memory_space<vmem>>
    %dma_start3A_31 = arith.constant 0 : i32
    %dma_start3A_32 = arith.constant 0 : i32
    %dma_start3A_33 = tpu.memref_slice %arg5[%dma_start3A_31, %dma_start3A_32] : memref<15x128xf32, #tpu.memory_space<vmem_shared>> -> memref<15x128xf32, #tpu.memory_space<vmem_shared>>
    tpu.enqueue_indirect_dma source(%dma_start3A_33 : memref<15x128xf32, #tpu.memory_space<vmem_shared>>) target(%dma_start3A_28 : memref<80x128xf32, #tpu.memory_space<vmem>>) offsets(%dma_start3A_30 : memref<80xi32, #tpu.memory_space<vmem>>) semaphore(%arg8 : memref<!tpu.dma_semaphore, #tpu.memory_space<semaphore_mem>>)
    %dma_start3A_34 = arith.constant 3 : i32
    %dma_start3A_35 = arith.constant 0 : i32
    %dma_start3A_36 = arith.constant 0 : i32
    %dma_start3A_37 = tpu.memref_slice %arg7[%dma_start3A_34, %dma_start3A_35, %dma_start3A_36] : memref<8x80x128xf32, #tpu.memory_space<vmem>> -> memref<1x80x128xf32, #tpu.memory_space<vmem>>
    %dma_start3A_38 = tpu.memref_squeeze %dma_start3A_37 : memref<1x80x128xf32, #tpu.memory_space<vmem>> -> memref<80x128xf32, #tpu.memory_space<vmem>>
    %dma_start3A_39 = arith.constant 240 : i32
    %dma_start3A_40 = tpu.memref_slice %arg6[%dma_start3A_39] : memref<25600xi32, #tpu.memory_space<vmem>> -> memref<80xi32, #tpu.memory_space<vmem>>
    %dma_start3A_41 = arith.constant 0 : i32
    %dma_start3A_42 = arith.constant 0 : i32
    %dma_start3A_43 = tpu.memref_slice %arg5[%dma_start3A_41, %dma_start3A_42] : memref<15x128xf32, #tpu.memory_space<vmem_shared>> -> memref<15x128xf32, #tpu.memory_space<vmem_shared>>
    tpu.enqueue_indirect_dma source(%dma_start3A_43 : memref<15x128xf32, #tpu.memory_space<vmem_shared>>) target(%dma_start3A_38 : memref<80x128xf32, #tpu.memory_space<vmem>>) offsets(%dma_start3A_40 : memref<80xi32, #tpu.memory_space<vmem>>) semaphore(%arg8 : memref<!tpu.dma_semaphore, #tpu.memory_space<semaphore_mem>>)
    %dma_start3A_44 = arith.constant 4 : i32
    %dma_start3A_45 = arith.constant 0 : i32
    %dma_start3A_46 = arith.constant 0 : i32
    %dma_start3A_47 = tpu.memref_slice %arg7[%dma_start3A_44, %dma_start3A_45, %dma_start3A_46] : memref<8x80x128xf32, #tpu.memory_space<vmem>> -> memref<1x80x128xf32, #tpu.memory_space<vmem>>
    %dma_start3A_48 = tpu.memref_squeeze %dma_start3A_47 : memref<1x80x128xf32, #tpu.memory_space<vmem>> -> memref<80x128xf32, #tpu.memory_space<vmem>>
    %dma_start3A_49 = arith.constant 320 : i32
    %dma_start3A_50 = tpu.memref_slice %arg6[%dma_start3A_49] : memref<25600xi32, #tpu.memory_space<vmem>> -> memref<80xi32, #tpu.memory_space<vmem>>
    %dma_start3A_51 = arith.constant 0 : i32
    %dma_start3A_52 = arith.constant 0 : i32
    %dma_start3A_53 = tpu.memref_slice %arg5[%dma_start3A_51, %dma_start3A_52] : memref<15x128xf32, #tpu.memory_space<vmem_shared>> -> memref<15x128xf32, #tpu.memory_space<vmem_shared>>
    tpu.enqueue_indirect_dma source(%dma_start3A_53 : memref<15x128xf32, #tpu.memory_space<vmem_shared>>) target(%dma_start3A_48 : memref<80x128xf32, #tpu.memory_space<vmem>>) offsets(%dma_start3A_50 : memref<80xi32, #tpu.memory_space<vmem>>) semaphore(%arg8 : memref<!tpu.dma_semaphore, #tpu.memory_space<semaphore_mem>>)
    %dma_start3A_54 = arith.constant 5 : i32
    %dma_start3A_55 = arith.constant 0 : i32
    %dma_start3A_56 = arith.constant 0 : i32
    %dma_start3A_57 = tpu.memref_slice %arg7[%dma_start3A_54, %dma_start3A_55, %dma_start3A_56] : memref<8x80x128xf32, #tpu.memory_space<vmem>> -> memref<1x80x128xf32, #tpu.memory_space<vmem>>
    %dma_start3A_58 = tpu.memref_squeeze %dma_start3A_57 : memref<1x80x128xf32, #tpu.memory_space<vmem>> -> memref<80x128xf32, #tpu.memory_space<vmem>>
    %dma_start3A_59 = arith.constant 400 : i32
    %dma_start3A_60 = tpu.memref_slice %arg6[%dma_start3A_59] : memref<25600xi32, #tpu.memory_space<vmem>> -> memref<80xi32, #tpu.memory_space<vmem>>
    %dma_start3A_61 = arith.constant 0 : i32
    %dma_start3A_62 = arith.constant 0 : i32
    %dma_start3A_63 = tpu.memref_slice %arg5[%dma_start3A_61, %dma_start3A_62] : memref<15x128xf32, #tpu.memory_space<vmem_shared>> -> memref<15x128xf32, #tpu.memory_space<vmem_shared>>
    tpu.enqueue_indirect_dma source(%dma_start3A_63 : memref<15x128xf32, #tpu.memory_space<vmem_shared>>) target(%dma_start3A_58 : memref<80x128xf32, #tpu.memory_space<vmem>>) offsets(%dma_start3A_60 : memref<80xi32, #tpu.memory_space<vmem>>) semaphore(%arg8 : memref<!tpu.dma_semaphore, #tpu.memory_space<semaphore_mem>>)
    %dma_start3A_64 = arith.constant 6 : i32
    %dma_start3A_65 = arith.constant 0 : i32
    %dma_start3A_66 = arith.constant 0 : i32
    %dma_start3A_67 = tpu.memref_slice %arg7[%dma_start3A_64, %dma_start3A_65, %dma_start3A_66] : memref<8x80x128xf32, #tpu.memory_space<vmem>> -> memref<1x80x128xf32, #tpu.memory_space<vmem>>
    %dma_start3A_68 = tpu.memref_squeeze %dma_start3A_67 : memref<1x80x128xf32, #tpu.memory_space<vmem>> -> memref<80x128xf32, #tpu.memory_space<vmem>>
    %dma_start3A_69 = arith.constant 480 : i32
    %dma_start3A_70 = tpu.memref_slice %arg6[%dma_start3A_69] : memref<25600xi32, #tpu.memory_space<vmem>> -> memref<80xi32, #tpu.memory_space<vmem>>
    %dma_start3A_71 = arith.constant 0 : i32
    %dma_start3A_72 = arith.constant 0 : i32
    %dma_start3A_73 = tpu.memref_slice %arg5[%dma_start3A_71, %dma_start3A_72] : memref<15x128xf32, #tpu.memory_space<vmem_shared>> -> memref<15x128xf32, #tpu.memory_space<vmem_shared>>
    tpu.enqueue_indirect_dma source(%dma_start3A_73 : memref<15x128xf32, #tpu.memory_space<vmem_shared>>) target(%dma_start3A_68 : memref<80x128xf32, #tpu.memory_space<vmem>>) offsets(%dma_start3A_70 : memref<80xi32, #tpu.memory_space<vmem>>) semaphore(%arg8 : memref<!tpu.dma_semaphore, #tpu.memory_space<semaphore_mem>>)
    %dma_start3A_74 = arith.constant 7 : i32
    %dma_start3A_75 = arith.constant 0 : i32
    %dma_start3A_76 = arith.constant 0 : i32
    %dma_start3A_77 = tpu.memref_slice %arg7[%dma_start3A_74, %dma_start3A_75, %dma_start3A_76] : memref<8x80x128xf32, #tpu.memory_space<vmem>> -> memref<1x80x128xf32, #tpu.memory_space<vmem>>
    %dma_start3A_78 = tpu.memref_squeeze %dma_start3A_77 : memref<1x80x128xf32, #tpu.memory_space<vmem>> -> memref<80x128xf32, #tpu.memory_space<vmem>>
    %dma_start3A_79 = arith.constant 560 : i32
    %dma_start3A_80 = tpu.memref_slice %arg6[%dma_start3A_79] : memref<25600xi32, #tpu.memory_space<vmem>> -> memref<80xi32, #tpu.memory_space<vmem>>
    %dma_start3A_81 = arith.constant 0 : i32
    %dma_start3A_82 = arith.constant 0 : i32
    %dma_start3A_83 = tpu.memref_slice %arg5[%dma_start3A_81, %dma_start3A_82] : memref<15x128xf32, #tpu.memory_space<vmem_shared>> -> memref<15x128xf32, #tpu.memory_space<vmem_shared>>
    tpu.enqueue_indirect_dma source(%dma_start3A_83 : memref<15x128xf32, #tpu.memory_space<vmem_shared>>) target(%dma_start3A_78 : memref<80x128xf32, #tpu.memory_space<vmem>>) offsets(%dma_start3A_80 : memref<80xi32, #tpu.memory_space<vmem>>) semaphore(%arg8 : memref<!tpu.dma_semaphore, #tpu.memory_space<semaphore_mem>>)
    %dma_wait3A = arith.constant 0 : i32
    %dma_wait3A_84 = arith.constant 0 : i32
    %dma_wait3A_85 = arith.constant 0 : i32
    %dma_wait3A_86 = tpu.memref_slice %arg7[%dma_wait3A, %dma_wait3A_84, %dma_wait3A_85] : memref<8x80x128xf32, #tpu.memory_space<vmem>> -> memref<1x80x128xf32, #tpu.memory_space<vmem>>
    %dma_wait3A_87 = tpu.memref_squeeze %dma_wait3A_86 : memref<1x80x128xf32, #tpu.memory_space<vmem>> -> memref<80x128xf32, #tpu.memory_space<vmem>>
    %dma_wait3A_88 = arith.constant 0 : i32
    %dma_wait3A_89 = tpu.memref_slice %arg6[%dma_wait3A_88] : memref<25600xi32, #tpu.memory_space<vmem>> -> memref<80xi32, #tpu.memory_space<vmem>>
    %dma_wait3A_90 = arith.constant 0 : i32
    %dma_wait3A_91 = arith.constant 0 : i32
    %dma_wait3A_92 = tpu.memref_slice %arg5[%dma_wait3A_90, %dma_wait3A_91] : memref<15x128xf32, #tpu.memory_space<vmem_shared>> -> memref<15x128xf32, #tpu.memory_space<vmem_shared>>
    tpu.wait_indirect_dma semaphore(%arg8 : memref<!tpu.dma_semaphore, #tpu.memory_space<semaphore_mem>>) src(%dma_wait3A_92 : memref<15x128xf32, #tpu.memory_space<vmem_shared>>) dst(%dma_wait3A_87 : memref<80x128xf32, #tpu.memory_space<vmem>>)
    %add3A_93 = arith.constant 0 : i32
    %add3A_94 = arith.addi %mul3A_2, %add3A_93 : i32
    %dma_start3A_95 = arith.constant 0 : i32
    %dma_start3A_96 = arith.constant 0 : i32
    %dma_start3A_97 = arith.constant 0 : i32
    %dma_start3A_98 = tpu.memref_slice %arg7[%dma_start3A_95, %dma_start3A_96, %dma_start3A_97] : memref<8x80x128xf32, #tpu.memory_space<vmem>> -> memref<1x80x128xf32, #tpu.memory_space<vmem>>
    %dma_start3A_99 = tpu.memref_squeeze %dma_start3A_98 : memref<1x80x128xf32, #tpu.memory_space<vmem>> -> memref<80x128xf32, #tpu.memory_space<vmem>>
    %dma_start3A_100 = arith.constant 0 : i32
    %dma_start3A_101 = tpu.memref_slice %arg4[%add3A_94, %dma_start3A_100] : memref<819200x128xf32, #tpu.memory_space<hbm>> -> memref<80x128xf32, #tpu.memory_space<hbm>>
    %dma_start3A_102 = arith.constant 0 : i32
    %dma_start3A_103 = tpu.memref_slice %arg4[%add3A_94, %dma_start3A_102] : memref<819200x128xf32, #tpu.memory_space<hbm>> -> memref<80x128xf32, #tpu.memory_space<hbm>>
    %dma_start3A_104 = arith.constant 0 : i32
    %dma_start3A_105 = arith.constant 0 : i32
    %dma_start3A_106 = tpu.memref_slice %arg7[%dma_start3A_95, %dma_start3A_104, %dma_start3A_105] : memref<8x80x128xf32, #tpu.memory_space<vmem>> -> memref<1x80x128xf32, #tpu.memory_space<vmem>>
    %dma_start3A_107 = tpu.memref_squeeze %dma_start3A_106 : memref<1x80x128xf32, #tpu.memory_space<vmem>> -> memref<80x128xf32, #tpu.memory_space<vmem>>
    tpu.enqueue_dma source(%dma_start3A_107 : memref<80x128xf32, #tpu.memory_space<vmem>>) target(%dma_start3A_103 : memref<80x128xf32, #tpu.memory_space<hbm>>) target_semaphore(%arg9 : memref<!tpu.dma_semaphore, #tpu.memory_space<semaphore_mem>>)
    %dma_wait3A_108 = arith.constant 1 : i32
    %dma_wait3A_109 = arith.constant 0 : i32
    %dma_wait3A_110 = arith.constant 0 : i32
    %dma_wait3A_111 = tpu.memref_slice %arg7[%dma_wait3A_108, %dma_wait3A_109, %dma_wait3A_110] : memref<8x80x128xf32, #tpu.memory_space<vmem>> -> memref<1x80x128xf32, #tpu.memory_space<vmem>>
    %dma_wait3A_112 = tpu.memref_squeeze %dma_wait3A_111 : memref<1x80x128xf32, #tpu.memory_space<vmem>> -> memref<80x128xf32, #tpu.memory_space<vmem>>
    %dma_wait3A_113 = arith.constant 80 : i32
    %dma_wait3A_114 = tpu.memref_slice %arg6[%dma_wait3A_113] : memref<25600xi32, #tpu.memory_space<vmem>> -> memref<80xi32, #tpu.memory_space<vmem>>
    %dma_wait3A_115 = arith.constant 0 : i32
    %dma_wait3A_116 = arith.constant 0 : i32
    %dma_wait3A_117 = tpu.memref_slice %arg5[%dma_wait3A_115, %dma_wait3A_116] : memref<15x128xf32, #tpu.memory_space<vmem_shared>> -> memref<15x128xf32, #tpu.memory_space<vmem_shared>>
    tpu.wait_indirect_dma semaphore(%arg8 : memref<!tpu.dma_semaphore, #tpu.memory_space<semaphore_mem>>) src(%dma_wait3A_117 : memref<15x128xf32, #tpu.memory_space<vmem_shared>>) dst(%dma_wait3A_112 : memref<80x128xf32, #tpu.memory_space<vmem>>)
    %add3A_118 = arith.constant 80 : i32
    %add3A_119 = arith.addi %mul3A_2, %add3A_118 : i32
    %dma_start3A_120 = arith.constant 1 : i32
    %dma_start3A_121 = arith.constant 0 : i32
    %dma_start3A_122 = arith.constant 0 : i32
    %dma_start3A_123 = tpu.memref_slice %arg7[%dma_start3A_120, %dma_start3A_121, %dma_start3A_122] : memref<8x80x128xf32, #tpu.memory_space<vmem>> -> memref<1x80x128xf32, #tpu.memory_space<vmem>>
    %dma_start3A_124 = tpu.memref_squeeze %dma_start3A_123 : memref<1x80x128xf32, #tpu.memory_space<vmem>> -> memref<80x128xf32, #tpu.memory_space<vmem>>
    %dma_start3A_125 = arith.constant 0 : i32
    %dma_start3A_126 = tpu.memref_slice %arg4[%add3A_119, %dma_start3A_125] : memref<819200x128xf32, #tpu.memory_space<hbm>> -> memref<80x128xf32, #tpu.memory_space<hbm>>
    %dma_start3A_127 = arith.constant 0 : i32
    %dma_start3A_128 = tpu.memref_slice %arg4[%add3A_119, %dma_start3A_127] : memref<819200x128xf32, #tpu.memory_space<hbm>> -> memref<80x128xf32, #tpu.memory_space<hbm>>
    %dma_start3A_129 = arith.constant 0 : i32
    %dma_start3A_130 = arith.constant 0 : i32
    %dma_start3A_131 = tpu.memref_slice %arg7[%dma_start3A_120, %dma_start3A_129, %dma_start3A_130] : memref<8x80x128xf32, #tpu.memory_space<vmem>> -> memref<1x80x128xf32, #tpu.memory_space<vmem>>
    %dma_start3A_132 = tpu.memref_squeeze %dma_start3A_131 : memref<1x80x128xf32, #tpu.memory_space<vmem>> -> memref<80x128xf32, #tpu.memory_space<vmem>>
    tpu.enqueue_dma source(%dma_start3A_132 : memref<80x128xf32, #tpu.memory_space<vmem>>) target(%dma_start3A_128 : memref<80x128xf32, #tpu.memory_space<hbm>>) target_semaphore(%arg9 : memref<!tpu.dma_semaphore, #tpu.memory_space<semaphore_mem>>)
    %dma_wait3A_133 = arith.constant 2 : i32
    %dma_wait3A_134 = arith.constant 0 : i32
    %dma_wait3A_135 = arith.constant 0 : i32
    %dma_wait3A_136 = tpu.memref_slice %arg7[%dma_wait3A_133, %dma_wait3A_134, %dma_wait3A_135] : memref<8x80x128xf32, #tpu.memory_space<vmem>> -> memref<1x80x128xf32, #tpu.memory_space<vmem>>
    %dma_wait3A_137 = tpu.memref_squeeze %dma_wait3A_136 : memref<1x80x128xf32, #tpu.memory_space<vmem>> -> memref<80x128xf32, #tpu.memory_space<vmem>>
    %dma_wait3A_138 = arith.constant 160 : i32
    %dma_wait3A_139 = tpu.memref_slice %arg6[%dma_wait3A_138] : memref<25600xi32, #tpu.memory_space<vmem>> -> memref<80xi32, #tpu.memory_space<vmem>>
    %dma_wait3A_140 = arith.constant 0 : i32
    %dma_wait3A_141 = arith.constant 0 : i32
    %dma_wait3A_142 = tpu.memref_slice %arg5[%dma_wait3A_140, %dma_wait3A_141] : memref<15x128xf32, #tpu.memory_space<vmem_shared>> -> memref<15x128xf32, #tpu.memory_space<vmem_shared>>
    tpu.wait_indirect_dma semaphore(%arg8 : memref<!tpu.dma_semaphore, #tpu.memory_space<semaphore_mem>>) src(%dma_wait3A_142 : memref<15x128xf32, #tpu.memory_space<vmem_shared>>) dst(%dma_wait3A_137 : memref<80x128xf32, #tpu.memory_space<vmem>>)
    %add3A_143 = arith.constant 160 : i32
    %add3A_144 = arith.addi %mul3A_2, %add3A_143 : i32
    %dma_start3A_145 = arith.constant 2 : i32
    %dma_start3A_146 = arith.constant 0 : i32
    %dma_start3A_147 = arith.constant 0 : i32
    %dma_start3A_148 = tpu.memref_slice %arg7[%dma_start3A_145, %dma_start3A_146, %dma_start3A_147] : memref<8x80x128xf32, #tpu.memory_space<vmem>> -> memref<1x80x128xf32, #tpu.memory_space<vmem>>
    %dma_start3A_149 = tpu.memref_squeeze %dma_start3A_148 : memref<1x80x128xf32, #tpu.memory_space<vmem>> -> memref<80x128xf32, #tpu.memory_space<vmem>>
    %dma_start3A_150 = arith.constant 0 : i32
    %dma_start3A_151 = tpu.memref_slice %arg4[%add3A_144, %dma_start3A_150] : memref<819200x128xf32, #tpu.memory_space<hbm>> -> memref<80x128xf32, #tpu.memory_space<hbm>>
    %dma_start3A_152 = arith.constant 0 : i32
    %dma_start3A_153 = tpu.memref_slice %arg4[%add3A_144, %dma_start3A_152] : memref<819200x128xf32, #tpu.memory_space<hbm>> -> memref<80x128xf32, #tpu.memory_space<hbm>>
    %dma_start3A_154 = arith.constant 0 : i32
    %dma_start3A_155 = arith.constant 0 : i32
    %dma_start3A_156 = tpu.memref_slice %arg7[%dma_start3A_145, %dma_start3A_154, %dma_start3A_155] : memref<8x80x128xf32, #tpu.memory_space<vmem>> -> memref<1x80x128xf32, #tpu.memory_space<vmem>>
    %dma_start3A_157 = tpu.memref_squeeze %dma_start3A_156 : memref<1x80x128xf32, #tpu.memory_space<vmem>> -> memref<80x128xf32, #tpu.memory_space<vmem>>
    tpu.enqueue_dma source(%dma_start3A_157 : memref<80x128xf32, #tpu.memory_space<vmem>>) target(%dma_start3A_153 : memref<80x128xf32, #tpu.memory_space<hbm>>) target_semaphore(%arg9 : memref<!tpu.dma_semaphore, #tpu.memory_space<semaphore_mem>>)
    %dma_wait3A_158 = arith.constant 3 : i32
    %dma_wait3A_159 = arith.constant 0 : i32
    %dma_wait3A_160 = arith.constant 0 : i32
    %dma_wait3A_161 = tpu.memref_slice %arg7[%dma_wait3A_158, %dma_wait3A_159, %dma_wait3A_160] : memref<8x80x128xf32, #tpu.memory_space<vmem>> -> memref<1x80x128xf32, #tpu.memory_space<vmem>>
    %dma_wait3A_162 = tpu.memref_squeeze %dma_wait3A_161 : memref<1x80x128xf32, #tpu.memory_space<vmem>> -> memref<80x128xf32, #tpu.memory_space<vmem>>
    %dma_wait3A_163 = arith.constant 240 : i32
    %dma_wait3A_164 = tpu.memref_slice %arg6[%dma_wait3A_163] : memref<25600xi32, #tpu.memory_space<vmem>> -> memref<80xi32, #tpu.memory_space<vmem>>
    %dma_wait3A_165 = arith.constant 0 : i32
    %dma_wait3A_166 = arith.constant 0 : i32
    %dma_wait3A_167 = tpu.memref_slice %arg5[%dma_wait3A_165, %dma_wait3A_166] : memref<15x128xf32, #tpu.memory_space<vmem_shared>> -> memref<15x128xf32, #tpu.memory_space<vmem_shared>>
    tpu.wait_indirect_dma semaphore(%arg8 : memref<!tpu.dma_semaphore, #tpu.memory_space<semaphore_mem>>) src(%dma_wait3A_167 : memref<15x128xf32, #tpu.memory_space<vmem_shared>>) dst(%dma_wait3A_162 : memref<80x128xf32, #tpu.memory_space<vmem>>)
    %add3A_168 = arith.constant 240 : i32
    %add3A_169 = arith.addi %mul3A_2, %add3A_168 : i32
    %dma_start3A_170 = arith.constant 3 : i32
    %dma_start3A_171 = arith.constant 0 : i32
    %dma_start3A_172 = arith.constant 0 : i32
    %dma_start3A_173 = tpu.memref_slice %arg7[%dma_start3A_170, %dma_start3A_171, %dma_start3A_172] : memref<8x80x128xf32, #tpu.memory_space<vmem>> -> memref<1x80x128xf32, #tpu.memory_space<vmem>>
    %dma_start3A_174 = tpu.memref_squeeze %dma_start3A_173 : memref<1x80x128xf32, #tpu.memory_space<vmem>> -> memref<80x128xf32, #tpu.memory_space<vmem>>
    %dma_start3A_175 = arith.constant 0 : i32
    %dma_start3A_176 = tpu.memref_slice %arg4[%add3A_169, %dma_start3A_175] : memref<819200x128xf32, #tpu.memory_space<hbm>> -> memref<80x128xf32, #tpu.memory_space<hbm>>
    %dma_start3A_177 = arith.constant 0 : i32
    %dma_start3A_178 = tpu.memref_slice %arg4[%add3A_169, %dma_start3A_177] : memref<819200x128xf32, #tpu.memory_space<hbm>> -> memref<80x128xf32, #tpu.memory_space<hbm>>
    %dma_start3A_179 = arith.constant 0 : i32
    %dma_start3A_180 = arith.constant 0 : i32
    %dma_start3A_181 = tpu.memref_slice %arg7[%dma_start3A_170, %dma_start3A_179, %dma_start3A_180] : memref<8x80x128xf32, #tpu.memory_space<vmem>> -> memref<1x80x128xf32, #tpu.memory_space<vmem>>
    %dma_start3A_182 = tpu.memref_squeeze %dma_start3A_181 : memref<1x80x128xf32, #tpu.memory_space<vmem>> -> memref<80x128xf32, #tpu.memory_space<vmem>>
    tpu.enqueue_dma source(%dma_start3A_182 : memref<80x128xf32, #tpu.memory_space<vmem>>) target(%dma_start3A_178 : memref<80x128xf32, #tpu.memory_space<hbm>>) target_semaphore(%arg9 : memref<!tpu.dma_semaphore, #tpu.memory_space<semaphore_mem>>)
    %dma_wait3A_183 = arith.constant 4 : i32
    %dma_wait3A_184 = arith.constant 0 : i32
    %dma_wait3A_185 = arith.constant 0 : i32
    %dma_wait3A_186 = tpu.memref_slice %arg7[%dma_wait3A_183, %dma_wait3A_184, %dma_wait3A_185] : memref<8x80x128xf32, #tpu.memory_space<vmem>> -> memref<1x80x128xf32, #tpu.memory_space<vmem>>
    %dma_wait3A_187 = tpu.memref_squeeze %dma_wait3A_186 : memref<1x80x128xf32, #tpu.memory_space<vmem>> -> memref<80x128xf32, #tpu.memory_space<vmem>>
    %dma_wait3A_188 = arith.constant 320 : i32
    %dma_wait3A_189 = tpu.memref_slice %arg6[%dma_wait3A_188] : memref<25600xi32, #tpu.memory_space<vmem>> -> memref<80xi32, #tpu.memory_space<vmem>>
    %dma_wait3A_190 = arith.constant 0 : i32
    %dma_wait3A_191 = arith.constant 0 : i32
    %dma_wait3A_192 = tpu.memref_slice %arg5[%dma_wait3A_190, %dma_wait3A_191] : memref<15x128xf32, #tpu.memory_space<vmem_shared>> -> memref<15x128xf32, #tpu.memory_space<vmem_shared>>
    tpu.wait_indirect_dma semaphore(%arg8 : memref<!tpu.dma_semaphore, #tpu.memory_space<semaphore_mem>>) src(%dma_wait3A_192 : memref<15x128xf32, #tpu.memory_space<vmem_shared>>) dst(%dma_wait3A_187 : memref<80x128xf32, #tpu.memory_space<vmem>>)
    %add3A_193 = arith.constant 320 : i32
    %add3A_194 = arith.addi %mul3A_2, %add3A_193 : i32
    %dma_start3A_195 = arith.constant 4 : i32
    %dma_start3A_196 = arith.constant 0 : i32
    %dma_start3A_197 = arith.constant 0 : i32
    %dma_start3A_198 = tpu.memref_slice %arg7[%dma_start3A_195, %dma_start3A_196, %dma_start3A_197] : memref<8x80x128xf32, #tpu.memory_space<vmem>> -> memref<1x80x128xf32, #tpu.memory_space<vmem>>
    %dma_start3A_199 = tpu.memref_squeeze %dma_start3A_198 : memref<1x80x128xf32, #tpu.memory_space<vmem>> -> memref<80x128xf32, #tpu.memory_space<vmem>>
    %dma_start3A_200 = arith.constant 0 : i32
    %dma_start3A_201 = tpu.memref_slice %arg4[%add3A_194, %dma_start3A_200] : memref<819200x128xf32, #tpu.memory_space<hbm>> -> memref<80x128xf32, #tpu.memory_space<hbm>>
    %dma_start3A_202 = arith.constant 0 : i32
    %dma_start3A_203 = tpu.memref_slice %arg4[%add3A_194, %dma_start3A_202] : memref<819200x128xf32, #tpu.memory_space<hbm>> -> memref<80x128xf32, #tpu.memory_space<hbm>>
    %dma_start3A_204 = arith.constant 0 : i32
    %dma_start3A_205 = arith.constant 0 : i32
    %dma_start3A_206 = tpu.memref_slice %arg7[%dma_start3A_195, %dma_start3A_204, %dma_start3A_205] : memref<8x80x128xf32, #tpu.memory_space<vmem>> -> memref<1x80x128xf32, #tpu.memory_space<vmem>>
    %dma_start3A_207 = tpu.memref_squeeze %dma_start3A_206 : memref<1x80x128xf32, #tpu.memory_space<vmem>> -> memref<80x128xf32, #tpu.memory_space<vmem>>
    tpu.enqueue_dma source(%dma_start3A_207 : memref<80x128xf32, #tpu.memory_space<vmem>>) target(%dma_start3A_203 : memref<80x128xf32, #tpu.memory_space<hbm>>) target_semaphore(%arg9 : memref<!tpu.dma_semaphore, #tpu.memory_space<semaphore_mem>>)
    %dma_wait3A_208 = arith.constant 5 : i32
    %dma_wait3A_209 = arith.constant 0 : i32
    %dma_wait3A_210 = arith.constant 0 : i32
    %dma_wait3A_211 = tpu.memref_slice %arg7[%dma_wait3A_208, %dma_wait3A_209, %dma_wait3A_210] : memref<8x80x128xf32, #tpu.memory_space<vmem>> -> memref<1x80x128xf32, #tpu.memory_space<vmem>>
    %dma_wait3A_212 = tpu.memref_squeeze %dma_wait3A_211 : memref<1x80x128xf32, #tpu.memory_space<vmem>> -> memref<80x128xf32, #tpu.memory_space<vmem>>
    %dma_wait3A_213 = arith.constant 400 : i32
    %dma_wait3A_214 = tpu.memref_slice %arg6[%dma_wait3A_213] : memref<25600xi32, #tpu.memory_space<vmem>> -> memref<80xi32, #tpu.memory_space<vmem>>
    %dma_wait3A_215 = arith.constant 0 : i32
    %dma_wait3A_216 = arith.constant 0 : i32
    %dma_wait3A_217 = tpu.memref_slice %arg5[%dma_wait3A_215, %dma_wait3A_216] : memref<15x128xf32, #tpu.memory_space<vmem_shared>> -> memref<15x128xf32, #tpu.memory_space<vmem_shared>>
    tpu.wait_indirect_dma semaphore(%arg8 : memref<!tpu.dma_semaphore, #tpu.memory_space<semaphore_mem>>) src(%dma_wait3A_217 : memref<15x128xf32, #tpu.memory_space<vmem_shared>>) dst(%dma_wait3A_212 : memref<80x128xf32, #tpu.memory_space<vmem>>)
    %add3A_218 = arith.constant 400 : i32
    %add3A_219 = arith.addi %mul3A_2, %add3A_218 : i32
    %dma_start3A_220 = arith.constant 5 : i32
    %dma_start3A_221 = arith.constant 0 : i32
    %dma_start3A_222 = arith.constant 0 : i32
    %dma_start3A_223 = tpu.memref_slice %arg7[%dma_start3A_220, %dma_start3A_221, %dma_start3A_222] : memref<8x80x128xf32, #tpu.memory_space<vmem>> -> memref<1x80x128xf32, #tpu.memory_space<vmem>>
    %dma_start3A_224 = tpu.memref_squeeze %dma_start3A_223 : memref<1x80x128xf32, #tpu.memory_space<vmem>> -> memref<80x128xf32, #tpu.memory_space<vmem>>
    %dma_start3A_225 = arith.constant 0 : i32
    %dma_start3A_226 = tpu.memref_slice %arg4[%add3A_219, %dma_start3A_225] : memref<819200x128xf32, #tpu.memory_space<hbm>> -> memref<80x128xf32, #tpu.memory_space<hbm>>
    %dma_start3A_227 = arith.constant 0 : i32
    %dma_start3A_228 = tpu.memref_slice %arg4[%add3A_219, %dma_start3A_227] : memref<819200x128xf32, #tpu.memory_space<hbm>> -> memref<80x128xf32, #tpu.memory_space<hbm>>
    %dma_start3A_229 = arith.constant 0 : i32
    %dma_start3A_230 = arith.constant 0 : i32
    %dma_start3A_231 = tpu.memref_slice %arg7[%dma_start3A_220, %dma_start3A_229, %dma_start3A_230] : memref<8x80x128xf32, #tpu.memory_space<vmem>> -> memref<1x80x128xf32, #tpu.memory_space<vmem>>
    %dma_start3A_232 = tpu.memref_squeeze %dma_start3A_231 : memref<1x80x128xf32, #tpu.memory_space<vmem>> -> memref<80x128xf32, #tpu.memory_space<vmem>>
    tpu.enqueue_dma source(%dma_start3A_232 : memref<80x128xf32, #tpu.memory_space<vmem>>) target(%dma_start3A_228 : memref<80x128xf32, #tpu.memory_space<hbm>>) target_semaphore(%arg9 : memref<!tpu.dma_semaphore, #tpu.memory_space<semaphore_mem>>)
    %dma_wait3A_233 = arith.constant 6 : i32
    %dma_wait3A_234 = arith.constant 0 : i32
    %dma_wait3A_235 = arith.constant 0 : i32
    %dma_wait3A_236 = tpu.memref_slice %arg7[%dma_wait3A_233, %dma_wait3A_234, %dma_wait3A_235] : memref<8x80x128xf32, #tpu.memory_space<vmem>> -> memref<1x80x128xf32, #tpu.memory_space<vmem>>
    %dma_wait3A_237 = tpu.memref_squeeze %dma_wait3A_236 : memref<1x80x128xf32, #tpu.memory_space<vmem>> -> memref<80x128xf32, #tpu.memory_space<vmem>>
    %dma_wait3A_238 = arith.constant 480 : i32
    %dma_wait3A_239 = tpu.memref_slice %arg6[%dma_wait3A_238] : memref<25600xi32, #tpu.memory_space<vmem>> -> memref<80xi32, #tpu.memory_space<vmem>>
    %dma_wait3A_240 = arith.constant 0 : i32
    %dma_wait3A_241 = arith.constant 0 : i32
    %dma_wait3A_242 = tpu.memref_slice %arg5[%dma_wait3A_240, %dma_wait3A_241] : memref<15x128xf32, #tpu.memory_space<vmem_shared>> -> memref<15x128xf32, #tpu.memory_space<vmem_shared>>
    tpu.wait_indirect_dma semaphore(%arg8 : memref<!tpu.dma_semaphore, #tpu.memory_space<semaphore_mem>>) src(%dma_wait3A_242 : memref<15x128xf32, #tpu.memory_space<vmem_shared>>) dst(%dma_wait3A_237 : memref<80x128xf32, #tpu.memory_space<vmem>>)
    %add3A_243 = arith.constant 480 : i32
    %add3A_244 = arith.addi %mul3A_2, %add3A_243 : i32
    %dma_start3A_245 = arith.constant 6 : i32
    %dma_start3A_246 = arith.constant 0 : i32
    %dma_start3A_247 = arith.constant 0 : i32
    %dma_start3A_248 = tpu.memref_slice %arg7[%dma_start3A_245, %dma_start3A_246, %dma_start3A_247] : memref<8x80x128xf32, #tpu.memory_space<vmem>> -> memref<1x80x128xf32, #tpu.memory_space<vmem>>
    %dma_start3A_249 = tpu.memref_squeeze %dma_start3A_248 : memref<1x80x128xf32, #tpu.memory_space<vmem>> -> memref<80x128xf32, #tpu.memory_space<vmem>>
    %dma_start3A_250 = arith.constant 0 : i32
    %dma_start3A_251 = tpu.memref_slice %arg4[%add3A_244, %dma_start3A_250] : memref<819200x128xf32, #tpu.memory_space<hbm>> -> memref<80x128xf32, #tpu.memory_space<hbm>>
    %dma_start3A_252 = arith.constant 0 : i32
    %dma_start3A_253 = tpu.memref_slice %arg4[%add3A_244, %dma_start3A_252] : memref<819200x128xf32, #tpu.memory_space<hbm>> -> memref<80x128xf32, #tpu.memory_space<hbm>>
    %dma_start3A_254 = arith.constant 0 : i32
    %dma_start3A_255 = arith.constant 0 : i32
    %dma_start3A_256 = tpu.memref_slice %arg7[%dma_start3A_245, %dma_start3A_254, %dma_start3A_255] : memref<8x80x128xf32, #tpu.memory_space<vmem>> -> memref<1x80x128xf32, #tpu.memory_space<vmem>>
    %dma_start3A_257 = tpu.memref_squeeze %dma_start3A_256 : memref<1x80x128xf32, #tpu.memory_space<vmem>> -> memref<80x128xf32, #tpu.memory_space<vmem>>
    tpu.enqueue_dma source(%dma_start3A_257 : memref<80x128xf32, #tpu.memory_space<vmem>>) target(%dma_start3A_253 : memref<80x128xf32, #tpu.memory_space<hbm>>) target_semaphore(%arg9 : memref<!tpu.dma_semaphore, #tpu.memory_space<semaphore_mem>>)
    %dma_wait3A_258 = arith.constant 7 : i32
    %dma_wait3A_259 = arith.constant 0 : i32
    %dma_wait3A_260 = arith.constant 0 : i32
    %dma_wait3A_261 = tpu.memref_slice %arg7[%dma_wait3A_258, %dma_wait3A_259, %dma_wait3A_260] : memref<8x80x128xf32, #tpu.memory_space<vmem>> -> memref<1x80x128xf32, #tpu.memory_space<vmem>>
    %dma_wait3A_262 = tpu.memref_squeeze %dma_wait3A_261 : memref<1x80x128xf32, #tpu.memory_space<vmem>> -> memref<80x128xf32, #tpu.memory_space<vmem>>
    %dma_wait3A_263 = arith.constant 560 : i32
    %dma_wait3A_264 = tpu.memref_slice %arg6[%dma_wait3A_263] : memref<25600xi32, #tpu.memory_space<vmem>> -> memref<80xi32, #tpu.memory_space<vmem>>
    %dma_wait3A_265 = arith.constant 0 : i32
    %dma_wait3A_266 = arith.constant 0 : i32
    %dma_wait3A_267 = tpu.memref_slice %arg5[%dma_wait3A_265, %dma_wait3A_266] : memref<15x128xf32, #tpu.memory_space<vmem_shared>> -> memref<15x128xf32, #tpu.memory_space<vmem_shared>>
    tpu.wait_indirect_dma semaphore(%arg8 : memref<!tpu.dma_semaphore, #tpu.memory_space<semaphore_mem>>) src(%dma_wait3A_267 : memref<15x128xf32, #tpu.memory_space<vmem_shared>>) dst(%dma_wait3A_262 : memref<80x128xf32, #tpu.memory_space<vmem>>)
    %add3A_268 = arith.constant 560 : i32
    %add3A_269 = arith.addi %mul3A_2, %add3A_268 : i32
    %dma_start3A_270 = arith.constant 7 : i32
    %dma_start3A_271 = arith.constant 0 : i32
    %dma_start3A_272 = arith.constant 0 : i32
    %dma_start3A_273 = tpu.memref_slice %arg7[%dma_start3A_270, %dma_start3A_271, %dma_start3A_272] : memref<8x80x128xf32, #tpu.memory_space<vmem>> -> memref<1x80x128xf32, #tpu.memory_space<vmem>>
    %dma_start3A_274 = tpu.memref_squeeze %dma_start3A_273 : memref<1x80x128xf32, #tpu.memory_space<vmem>> -> memref<80x128xf32, #tpu.memory_space<vmem>>
    %dma_start3A_275 = arith.constant 0 : i32
    %dma_start3A_276 = tpu.memref_slice %arg4[%add3A_269, %dma_start3A_275] : memref<819200x128xf32, #tpu.memory_space<hbm>> -> memref<80x128xf32, #tpu.memory_space<hbm>>
    %dma_start3A_277 = arith.constant 0 : i32
    %dma_start3A_278 = tpu.memref_slice %arg4[%add3A_269, %dma_start3A_277] : memref<819200x128xf32, #tpu.memory_space<hbm>> -> memref<80x128xf32, #tpu.memory_space<hbm>>
    %dma_start3A_279 = arith.constant 0 : i32
    %dma_start3A_280 = arith.constant 0 : i32
    %dma_start3A_281 = tpu.memref_slice %arg7[%dma_start3A_270, %dma_start3A_279, %dma_start3A_280] : memref<8x80x128xf32, #tpu.memory_space<vmem>> -> memref<1x80x128xf32, #tpu.memory_space<vmem>>
    %dma_start3A_282 = tpu.memref_squeeze %dma_start3A_281 : memref<1x80x128xf32, #tpu.memory_space<vmem>> -> memref<80x128xf32, #tpu.memory_space<vmem>>
    tpu.enqueue_dma source(%dma_start3A_282 : memref<80x128xf32, #tpu.memory_space<vmem>>) target(%dma_start3A_278 : memref<80x128xf32, #tpu.memory_space<hbm>>) target_semaphore(%arg9 : memref<!tpu.dma_semaphore, #tpu.memory_space<semaphore_mem>>)
    %scan3A = arith.constant 0 : i32
    %scan3A_283 = arith.constant 39 : i32
    %scan3A_284 = arith.addi %scan3A, %scan3A_283 : i32
    %scan3A_285 = arith.constant 1 : i32
    scf.for %scan3A_391 = %scan3A to %scan3A_284 step %scan3A_285  : i32 {
      %mul3A_392 = arith.constant 1 : i32
      %mul3A_393 = arith.muli %scan3A_391, %mul3A_392 : i32
      %add3A_394 = arith.constant 1 : i32
      %add3A_395 = arith.addi %add3A_394, %mul3A_393 : i32
      %mul3A_396 = arith.constant 8 : i32
      %mul3A_397 = arith.muli %add3A_395, %mul3A_396 : i32
      %dma_wait3A_398 = arith.constant 0 : i32
      %dma_wait3A_399 = arith.constant 0 : i32
      %dma_wait3A_400 = arith.constant 0 : i32
      %dma_wait3A_401 = tpu.memref_slice %arg7[%dma_wait3A_398, %dma_wait3A_399, %dma_wait3A_400] : memref<8x80x128xf32, #tpu.memory_space<vmem>> -> memref<1x80x128xf32, #tpu.memory_space<vmem>>
      %dma_wait3A_402 = tpu.memref_squeeze %dma_wait3A_401 : memref<1x80x128xf32, #tpu.memory_space<vmem>> -> memref<80x128xf32, #tpu.memory_space<vmem>>
      %dma_wait3A_403 = arith.constant 0 : i32
      %dma_wait3A_404 = tpu.memref_slice %arg4[%mul3A_2, %dma_wait3A_403] : memref<819200x128xf32, #tpu.memory_space<hbm>> -> memref<80x128xf32, #tpu.memory_space<hbm>>
      %dma_wait3A_405 = arith.constant 0 : i32
      %dma_wait3A_406 = tpu.memref_slice %arg4[%mul3A_2, %dma_wait3A_405] : memref<819200x128xf32, #tpu.memory_space<hbm>> -> memref<80x128xf32, #tpu.memory_space<hbm>>
      %dma_wait3A_407 = arith.constant 0 : i32
      %dma_wait3A_408 = arith.constant 0 : i32
      %dma_wait3A_409 = tpu.memref_slice %arg7[%dma_wait3A_398, %dma_wait3A_407, %dma_wait3A_408] : memref<8x80x128xf32, #tpu.memory_space<vmem>> -> memref<1x80x128xf32, #tpu.memory_space<vmem>>
      %dma_wait3A_410 = tpu.memref_squeeze %dma_wait3A_409 : memref<1x80x128xf32, #tpu.memory_space<vmem>> -> memref<80x128xf32, #tpu.memory_space<vmem>>
      tpu.wait_dma2 semaphore(%arg9 : memref<!tpu.dma_semaphore, #tpu.memory_space<semaphore_mem>>) src(%dma_wait3A_410 : memref<80x128xf32, #tpu.memory_space<vmem>>) dst(%dma_wait3A_406 : memref<80x128xf32, #tpu.memory_space<hbm>>)
      %add3A_411 = arith.constant 0 : i32
      %add3A_412 = arith.addi %mul3A_397, %add3A_411 : i32
      %mul3A_413 = arith.constant 80 : i32
      %mul3A_414 = arith.muli %add3A_412, %mul3A_413 : i32
      %dma_start3A_415 = arith.constant 0 : i32
      %dma_start3A_416 = arith.constant 0 : i32
      %dma_start3A_417 = arith.constant 0 : i32
      %dma_start3A_418 = tpu.memref_slice %arg7[%dma_start3A_415, %dma_start3A_416, %dma_start3A_417] : memref<8x80x128xf32, #tpu.memory_space<vmem>> -> memref<1x80x128xf32, #tpu.memory_space<vmem>>
      %dma_start3A_419 = tpu.memref_squeeze %dma_start3A_418 : memref<1x80x128xf32, #tpu.memory_space<vmem>> -> memref<80x128xf32, #tpu.memory_space<vmem>>
      %dma_start3A_420 = tpu.memref_slice %arg6[%mul3A_414] : memref<25600xi32, #tpu.memory_space<vmem>> -> memref<80xi32, #tpu.memory_space<vmem>>
      %dma_start3A_421 = arith.constant 0 : i32
      %dma_start3A_422 = arith.constant 0 : i32
      %dma_start3A_423 = tpu.memref_slice %arg5[%dma_start3A_421, %dma_start3A_422] : memref<15x128xf32, #tpu.memory_space<vmem_shared>> -> memref<15x128xf32, #tpu.memory_space<vmem_shared>>
      tpu.enqueue_indirect_dma source(%dma_start3A_423 : memref<15x128xf32, #tpu.memory_space<vmem_shared>>) target(%dma_start3A_419 : memref<80x128xf32, #tpu.memory_space<vmem>>) offsets(%dma_start3A_420 : memref<80xi32, #tpu.memory_space<vmem>>) semaphore(%arg8 : memref<!tpu.dma_semaphore, #tpu.memory_space<semaphore_mem>>)
      %dma_wait3A_424 = arith.constant 1 : i32
      %dma_wait3A_425 = arith.constant 0 : i32
      %dma_wait3A_426 = arith.constant 0 : i32
      %dma_wait3A_427 = tpu.memref_slice %arg7[%dma_wait3A_424, %dma_wait3A_425, %dma_wait3A_426] : memref<8x80x128xf32, #tpu.memory_space<vmem>> -> memref<1x80x128xf32, #tpu.memory_space<vmem>>
      %dma_wait3A_428 = tpu.memref_squeeze %dma_wait3A_427 : memref<1x80x128xf32, #tpu.memory_space<vmem>> -> memref<80x128xf32, #tpu.memory_space<vmem>>
      %dma_wait3A_429 = arith.constant 0 : i32
      %dma_wait3A_430 = tpu.memref_slice %arg4[%mul3A_2, %dma_wait3A_429] : memref<819200x128xf32, #tpu.memory_space<hbm>> -> memref<80x128xf32, #tpu.memory_space<hbm>>
      %dma_wait3A_431 = arith.constant 0 : i32
      %dma_wait3A_432 = tpu.memref_slice %arg4[%mul3A_2, %dma_wait3A_431] : memref<819200x128xf32, #tpu.memory_space<hbm>> -> memref<80x128xf32, #tpu.memory_space<hbm>>
      %dma_wait3A_433 = arith.constant 0 : i32
      %dma_wait3A_434 = arith.constant 0 : i32
      %dma_wait3A_435 = tpu.memref_slice %arg7[%dma_wait3A_424, %dma_wait3A_433, %dma_wait3A_434] : memref<8x80x128xf32, #tpu.memory_space<vmem>> -> memref<1x80x128xf32, #tpu.memory_space<vmem>>
      %dma_wait3A_436 = tpu.memref_squeeze %dma_wait3A_435 : memref<1x80x128xf32, #tpu.memory_space<vmem>> -> memref<80x128xf32, #tpu.memory_space<vmem>>
      tpu.wait_dma2 semaphore(%arg9 : memref<!tpu.dma_semaphore, #tpu.memory_space<semaphore_mem>>) src(%dma_wait3A_436 : memref<80x128xf32, #tpu.memory_space<vmem>>) dst(%dma_wait3A_432 : memref<80x128xf32, #tpu.memory_space<hbm>>)
      %add3A_437 = arith.constant 1 : i32
      %add3A_438 = arith.addi %mul3A_397, %add3A_437 : i32
      %mul3A_439 = arith.constant 80 : i32
      %mul3A_440 = arith.muli %add3A_438, %mul3A_439 : i32
      %dma_start3A_441 = arith.constant 1 : i32
      %dma_start3A_442 = arith.constant 0 : i32
      %dma_start3A_443 = arith.constant 0 : i32
      %dma_start3A_444 = tpu.memref_slice %arg7[%dma_start3A_441, %dma_start3A_442, %dma_start3A_443] : memref<8x80x128xf32, #tpu.memory_space<vmem>> -> memref<1x80x128xf32, #tpu.memory_space<vmem>>
      %dma_start3A_445 = tpu.memref_squeeze %dma_start3A_444 : memref<1x80x128xf32, #tpu.memory_space<vmem>> -> memref<80x128xf32, #tpu.memory_space<vmem>>
      %dma_start3A_446 = tpu.memref_slice %arg6[%mul3A_440] : memref<25600xi32, #tpu.memory_space<vmem>> -> memref<80xi32, #tpu.memory_space<vmem>>
      %dma_start3A_447 = arith.constant 0 : i32
      %dma_start3A_448 = arith.constant 0 : i32
      %dma_start3A_449 = tpu.memref_slice %arg5[%dma_start3A_447, %dma_start3A_448] : memref<15x128xf32, #tpu.memory_space<vmem_shared>> -> memref<15x128xf32, #tpu.memory_space<vmem_shared>>
      tpu.enqueue_indirect_dma source(%dma_start3A_449 : memref<15x128xf32, #tpu.memory_space<vmem_shared>>) target(%dma_start3A_445 : memref<80x128xf32, #tpu.memory_space<vmem>>) offsets(%dma_start3A_446 : memref<80xi32, #tpu.memory_space<vmem>>) semaphore(%arg8 : memref<!tpu.dma_semaphore, #tpu.memory_space<semaphore_mem>>)
      %dma_wait3A_450 = arith.constant 2 : i32
      %dma_wait3A_451 = arith.constant 0 : i32
      %dma_wait3A_452 = arith.constant 0 : i32
      %dma_wait3A_453 = tpu.memref_slice %arg7[%dma_wait3A_450, %dma_wait3A_451, %dma_wait3A_452] : memref<8x80x128xf32, #tpu.memory_space<vmem>> -> memref<1x80x128xf32, #tpu.memory_space<vmem>>
      %dma_wait3A_454 = tpu.memref_squeeze %dma_wait3A_453 : memref<1x80x128xf32, #tpu.memory_space<vmem>> -> memref<80x128xf32, #tpu.memory_space<vmem>>
      %dma_wait3A_455 = arith.constant 0 : i32
      %dma_wait3A_456 = tpu.memref_slice %arg4[%mul3A_2, %dma_wait3A_455] : memref<819200x128xf32, #tpu.memory_space<hbm>> -> memref<80x128xf32, #tpu.memory_space<hbm>>
      %dma_wait3A_457 = arith.constant 0 : i32
      %dma_wait3A_458 = tpu.memref_slice %arg4[%mul3A_2, %dma_wait3A_457] : memref<819200x128xf32, #tpu.memory_space<hbm>> -> memref<80x128xf32, #tpu.memory_space<hbm>>
      %dma_wait3A_459 = arith.constant 0 : i32
      %dma_wait3A_460 = arith.constant 0 : i32
      %dma_wait3A_461 = tpu.memref_slice %arg7[%dma_wait3A_450, %dma_wait3A_459, %dma_wait3A_460] : memref<8x80x128xf32, #tpu.memory_space<vmem>> -> memref<1x80x128xf32, #tpu.memory_space<vmem>>
      %dma_wait3A_462 = tpu.memref_squeeze %dma_wait3A_461 : memref<1x80x128xf32, #tpu.memory_space<vmem>> -> memref<80x128xf32, #tpu.memory_space<vmem>>
      tpu.wait_dma2 semaphore(%arg9 : memref<!tpu.dma_semaphore, #tpu.memory_space<semaphore_mem>>) src(%dma_wait3A_462 : memref<80x128xf32, #tpu.memory_space<vmem>>) dst(%dma_wait3A_458 : memref<80x128xf32, #tpu.memory_space<hbm>>)
      %add3A_463 = arith.constant 2 : i32
      %add3A_464 = arith.addi %mul3A_397, %add3A_463 : i32
      %mul3A_465 = arith.constant 80 : i32
      %mul3A_466 = arith.muli %add3A_464, %mul3A_465 : i32
      %dma_start3A_467 = arith.constant 2 : i32
      %dma_start3A_468 = arith.constant 0 : i32
      %dma_start3A_469 = arith.constant 0 : i32
      %dma_start3A_470 = tpu.memref_slice %arg7[%dma_start3A_467, %dma_start3A_468, %dma_start3A_469] : memref<8x80x128xf32, #tpu.memory_space<vmem>> -> memref<1x80x128xf32, #tpu.memory_space<vmem>>
      %dma_start3A_471 = tpu.memref_squeeze %dma_start3A_470 : memref<1x80x128xf32, #tpu.memory_space<vmem>> -> memref<80x128xf32, #tpu.memory_space<vmem>>
      %dma_start3A_472 = tpu.memref_slice %arg6[%mul3A_466] : memref<25600xi32, #tpu.memory_space<vmem>> -> memref<80xi32, #tpu.memory_space<vmem>>
      %dma_start3A_473 = arith.constant 0 : i32
      %dma_start3A_474 = arith.constant 0 : i32
      %dma_start3A_475 = tpu.memref_slice %arg5[%dma_start3A_473, %dma_start3A_474] : memref<15x128xf32, #tpu.memory_space<vmem_shared>> -> memref<15x128xf32, #tpu.memory_space<vmem_shared>>
      tpu.enqueue_indirect_dma source(%dma_start3A_475 : memref<15x128xf32, #tpu.memory_space<vmem_shared>>) target(%dma_start3A_471 : memref<80x128xf32, #tpu.memory_space<vmem>>) offsets(%dma_start3A_472 : memref<80xi32, #tpu.memory_space<vmem>>) semaphore(%arg8 : memref<!tpu.dma_semaphore, #tpu.memory_space<semaphore_mem>>)
      %dma_wait3A_476 = arith.constant 3 : i32
      %dma_wait3A_477 = arith.constant 0 : i32
      %dma_wait3A_478 = arith.constant 0 : i32
      %dma_wait3A_479 = tpu.memref_slice %arg7[%dma_wait3A_476, %dma_wait3A_477, %dma_wait3A_478] : memref<8x80x128xf32, #tpu.memory_space<vmem>> -> memref<1x80x128xf32, #tpu.memory_space<vmem>>
      %dma_wait3A_480 = tpu.memref_squeeze %dma_wait3A_479 : memref<1x80x128xf32, #tpu.memory_space<vmem>> -> memref<80x128xf32, #tpu.memory_space<vmem>>
      %dma_wait3A_481 = arith.constant 0 : i32
      %dma_wait3A_482 = tpu.memref_slice %arg4[%mul3A_2, %dma_wait3A_481] : memref<819200x128xf32, #tpu.memory_space<hbm>> -> memref<80x128xf32, #tpu.memory_space<hbm>>
      %dma_wait3A_483 = arith.constant 0 : i32
      %dma_wait3A_484 = tpu.memref_slice %arg4[%mul3A_2, %dma_wait3A_483] : memref<819200x128xf32, #tpu.memory_space<hbm>> -> memref<80x128xf32, #tpu.memory_space<hbm>>
      %dma_wait3A_485 = arith.constant 0 : i32
      %dma_wait3A_486 = arith.constant 0 : i32
      %dma_wait3A_487 = tpu.memref_slice %arg7[%dma_wait3A_476, %dma_wait3A_485, %dma_wait3A_486] : memref<8x80x128xf32, #tpu.memory_space<vmem>> -> memref<1x80x128xf32, #tpu.memory_space<vmem>>
      %dma_wait3A_488 = tpu.memref_squeeze %dma_wait3A_487 : memref<1x80x128xf32, #tpu.memory_space<vmem>> -> memref<80x128xf32, #tpu.memory_space<vmem>>
      tpu.wait_dma2 semaphore(%arg9 : memref<!tpu.dma_semaphore, #tpu.memory_space<semaphore_mem>>) src(%dma_wait3A_488 : memref<80x128xf32, #tpu.memory_space<vmem>>) dst(%dma_wait3A_484 : memref<80x128xf32, #tpu.memory_space<hbm>>)
      %add3A_489 = arith.constant 3 : i32
      %add3A_490 = arith.addi %mul3A_397, %add3A_489 : i32
      %mul3A_491 = arith.constant 80 : i32
      %mul3A_492 = arith.muli %add3A_490, %mul3A_491 : i32
      %dma_start3A_493 = arith.constant 3 : i32
      %dma_start3A_494 = arith.constant 0 : i32
      %dma_start3A_495 = arith.constant 0 : i32
      %dma_start3A_496 = tpu.memref_slice %arg7[%dma_start3A_493, %dma_start3A_494, %dma_start3A_495] : memref<8x80x128xf32, #tpu.memory_space<vmem>> -> memref<1x80x128xf32, #tpu.memory_space<vmem>>
      %dma_start3A_497 = tpu.memref_squeeze %dma_start3A_496 : memref<1x80x128xf32, #tpu.memory_space<vmem>> -> memref<80x128xf32, #tpu.memory_space<vmem>>
      %dma_start3A_498 = tpu.memref_slice %arg6[%mul3A_492] : memref<25600xi32, #tpu.memory_space<vmem>> -> memref<80xi32, #tpu.memory_space<vmem>>
      %dma_start3A_499 = arith.constant 0 : i32
      %dma_start3A_500 = arith.constant 0 : i32
      %dma_start3A_501 = tpu.memref_slice %arg5[%dma_start3A_499, %dma_start3A_500] : memref<15x128xf32, #tpu.memory_space<vmem_shared>> -> memref<15x128xf32, #tpu.memory_space<vmem_shared>>
      tpu.enqueue_indirect_dma source(%dma_start3A_501 : memref<15x128xf32, #tpu.memory_space<vmem_shared>>) target(%dma_start3A_497 : memref<80x128xf32, #tpu.memory_space<vmem>>) offsets(%dma_start3A_498 : memref<80xi32, #tpu.memory_space<vmem>>) semaphore(%arg8 : memref<!tpu.dma_semaphore, #tpu.memory_space<semaphore_mem>>)
      %dma_wait3A_502 = arith.constant 4 : i32
      %dma_wait3A_503 = arith.constant 0 : i32
      %dma_wait3A_504 = arith.constant 0 : i32
      %dma_wait3A_505 = tpu.memref_slice %arg7[%dma_wait3A_502, %dma_wait3A_503, %dma_wait3A_504] : memref<8x80x128xf32, #tpu.memory_space<vmem>> -> memref<1x80x128xf32, #tpu.memory_space<vmem>>
      %dma_wait3A_506 = tpu.memref_squeeze %dma_wait3A_505 : memref<1x80x128xf32, #tpu.memory_space<vmem>> -> memref<80x128xf32, #tpu.memory_space<vmem>>
      %dma_wait3A_507 = arith.constant 0 : i32
      %dma_wait3A_508 = tpu.memref_slice %arg4[%mul3A_2, %dma_wait3A_507] : memref<819200x128xf32, #tpu.memory_space<hbm>> -> memref<80x128xf32, #tpu.memory_space<hbm>>
      %dma_wait3A_509 = arith.constant 0 : i32
      %dma_wait3A_510 = tpu.memref_slice %arg4[%mul3A_2, %dma_wait3A_509] : memref<819200x128xf32, #tpu.memory_space<hbm>> -> memref<80x128xf32, #tpu.memory_space<hbm>>
      %dma_wait3A_511 = arith.constant 0 : i32
      %dma_wait3A_512 = arith.constant 0 : i32
      %dma_wait3A_513 = tpu.memref_slice %arg7[%dma_wait3A_502, %dma_wait3A_511, %dma_wait3A_512] : memref<8x80x128xf32, #tpu.memory_space<vmem>> -> memref<1x80x128xf32, #tpu.memory_space<vmem>>
      %dma_wait3A_514 = tpu.memref_squeeze %dma_wait3A_513 : memref<1x80x128xf32, #tpu.memory_space<vmem>> -> memref<80x128xf32, #tpu.memory_space<vmem>>
      tpu.wait_dma2 semaphore(%arg9 : memref<!tpu.dma_semaphore, #tpu.memory_space<semaphore_mem>>) src(%dma_wait3A_514 : memref<80x128xf32, #tpu.memory_space<vmem>>) dst(%dma_wait3A_510 : memref<80x128xf32, #tpu.memory_space<hbm>>)
      %add3A_515 = arith.constant 4 : i32
      %add3A_516 = arith.addi %mul3A_397, %add3A_515 : i32
      %mul3A_517 = arith.constant 80 : i32
      %mul3A_518 = arith.muli %add3A_516, %mul3A_517 : i32
      %dma_start3A_519 = arith.constant 4 : i32
      %dma_start3A_520 = arith.constant 0 : i32
      %dma_start3A_521 = arith.constant 0 : i32
      %dma_start3A_522 = tpu.memref_slice %arg7[%dma_start3A_519, %dma_start3A_520, %dma_start3A_521] : memref<8x80x128xf32, #tpu.memory_space<vmem>> -> memref<1x80x128xf32, #tpu.memory_space<vmem>>
      %dma_start3A_523 = tpu.memref_squeeze %dma_start3A_522 : memref<1x80x128xf32, #tpu.memory_space<vmem>> -> memref<80x128xf32, #tpu.memory_space<vmem>>
      %dma_start3A_524 = tpu.memref_slice %arg6[%mul3A_518] : memref<25600xi32, #tpu.memory_space<vmem>> -> memref<80xi32, #tpu.memory_space<vmem>>
      %dma_start3A_525 = arith.constant 0 : i32
      %dma_start3A_526 = arith.constant 0 : i32
      %dma_start3A_527 = tpu.memref_slice %arg5[%dma_start3A_525, %dma_start3A_526] : memref<15x128xf32, #tpu.memory_space<vmem_shared>> -> memref<15x128xf32, #tpu.memory_space<vmem_shared>>
      tpu.enqueue_indirect_dma source(%dma_start3A_527 : memref<15x128xf32, #tpu.memory_space<vmem_shared>>) target(%dma_start3A_523 : memref<80x128xf32, #tpu.memory_space<vmem>>) offsets(%dma_start3A_524 : memref<80xi32, #tpu.memory_space<vmem>>) semaphore(%arg8 : memref<!tpu.dma_semaphore, #tpu.memory_space<semaphore_mem>>)
      %dma_wait3A_528 = arith.constant 5 : i32
      %dma_wait3A_529 = arith.constant 0 : i32
      %dma_wait3A_530 = arith.constant 0 : i32
      %dma_wait3A_531 = tpu.memref_slice %arg7[%dma_wait3A_528, %dma_wait3A_529, %dma_wait3A_530] : memref<8x80x128xf32, #tpu.memory_space<vmem>> -> memref<1x80x128xf32, #tpu.memory_space<vmem>>
      %dma_wait3A_532 = tpu.memref_squeeze %dma_wait3A_531 : memref<1x80x128xf32, #tpu.memory_space<vmem>> -> memref<80x128xf32, #tpu.memory_space<vmem>>
      %dma_wait3A_533 = arith.constant 0 : i32
      %dma_wait3A_534 = tpu.memref_slice %arg4[%mul3A_2, %dma_wait3A_533] : memref<819200x128xf32, #tpu.memory_space<hbm>> -> memref<80x128xf32, #tpu.memory_space<hbm>>
      %dma_wait3A_535 = arith.constant 0 : i32
      %dma_wait3A_536 = tpu.memref_slice %arg4[%mul3A_2, %dma_wait3A_535] : memref<819200x128xf32, #tpu.memory_space<hbm>> -> memref<80x128xf32, #tpu.memory_space<hbm>>
      %dma_wait3A_537 = arith.constant 0 : i32
      %dma_wait3A_538 = arith.constant 0 : i32
      %dma_wait3A_539 = tpu.memref_slice %arg7[%dma_wait3A_528, %dma_wait3A_537, %dma_wait3A_538] : memref<8x80x128xf32, #tpu.memory_space<vmem>> -> memref<1x80x128xf32, #tpu.memory_space<vmem>>
      %dma_wait3A_540 = tpu.memref_squeeze %dma_wait3A_539 : memref<1x80x128xf32, #tpu.memory_space<vmem>> -> memref<80x128xf32, #tpu.memory_space<vmem>>
      tpu.wait_dma2 semaphore(%arg9 : memref<!tpu.dma_semaphore, #tpu.memory_space<semaphore_mem>>) src(%dma_wait3A_540 : memref<80x128xf32, #tpu.memory_space<vmem>>) dst(%dma_wait3A_536 : memref<80x128xf32, #tpu.memory_space<hbm>>)
      %add3A_541 = arith.constant 5 : i32
      %add3A_542 = arith.addi %mul3A_397, %add3A_541 : i32
      %mul3A_543 = arith.constant 80 : i32
      %mul3A_544 = arith.muli %add3A_542, %mul3A_543 : i32
      %dma_start3A_545 = arith.constant 5 : i32
      %dma_start3A_546 = arith.constant 0 : i32
      %dma_start3A_547 = arith.constant 0 : i32
      %dma_start3A_548 = tpu.memref_slice %arg7[%dma_start3A_545, %dma_start3A_546, %dma_start3A_547] : memref<8x80x128xf32, #tpu.memory_space<vmem>> -> memref<1x80x128xf32, #tpu.memory_space<vmem>>
      %dma_start3A_549 = tpu.memref_squeeze %dma_start3A_548 : memref<1x80x128xf32, #tpu.memory_space<vmem>> -> memref<80x128xf32, #tpu.memory_space<vmem>>
      %dma_start3A_550 = tpu.memref_slice %arg6[%mul3A_544] : memref<25600xi32, #tpu.memory_space<vmem>> -> memref<80xi32, #tpu.memory_space<vmem>>
      %dma_start3A_551 = arith.constant 0 : i32
      %dma_start3A_552 = arith.constant 0 : i32
      %dma_start3A_553 = tpu.memref_slice %arg5[%dma_start3A_551, %dma_start3A_552] : memref<15x128xf32, #tpu.memory_space<vmem_shared>> -> memref<15x128xf32, #tpu.memory_space<vmem_shared>>
      tpu.enqueue_indirect_dma source(%dma_start3A_553 : memref<15x128xf32, #tpu.memory_space<vmem_shared>>) target(%dma_start3A_549 : memref<80x128xf32, #tpu.memory_space<vmem>>) offsets(%dma_start3A_550 : memref<80xi32, #tpu.memory_space<vmem>>) semaphore(%arg8 : memref<!tpu.dma_semaphore, #tpu.memory_space<semaphore_mem>>)
      %dma_wait3A_554 = arith.constant 6 : i32
      %dma_wait3A_555 = arith.constant 0 : i32
      %dma_wait3A_556 = arith.constant 0 : i32
      %dma_wait3A_557 = tpu.memref_slice %arg7[%dma_wait3A_554, %dma_wait3A_555, %dma_wait3A_556] : memref<8x80x128xf32, #tpu.memory_space<vmem>> -> memref<1x80x128xf32, #tpu.memory_space<vmem>>
      %dma_wait3A_558 = tpu.memref_squeeze %dma_wait3A_557 : memref<1x80x128xf32, #tpu.memory_space<vmem>> -> memref<80x128xf32, #tpu.memory_space<vmem>>
      %dma_wait3A_559 = arith.constant 0 : i32
      %dma_wait3A_560 = tpu.memref_slice %arg4[%mul3A_2, %dma_wait3A_559] : memref<819200x128xf32, #tpu.memory_space<hbm>> -> memref<80x128xf32, #tpu.memory_space<hbm>>
      %dma_wait3A_561 = arith.constant 0 : i32
      %dma_wait3A_562 = tpu.memref_slice %arg4[%mul3A_2, %dma_wait3A_561] : memref<819200x128xf32, #tpu.memory_space<hbm>> -> memref<80x128xf32, #tpu.memory_space<hbm>>
      %dma_wait3A_563 = arith.constant 0 : i32
      %dma_wait3A_564 = arith.constant 0 : i32
      %dma_wait3A_565 = tpu.memref_slice %arg7[%dma_wait3A_554, %dma_wait3A_563, %dma_wait3A_564] : memref<8x80x128xf32, #tpu.memory_space<vmem>> -> memref<1x80x128xf32, #tpu.memory_space<vmem>>
      %dma_wait3A_566 = tpu.memref_squeeze %dma_wait3A_565 : memref<1x80x128xf32, #tpu.memory_space<vmem>> -> memref<80x128xf32, #tpu.memory_space<vmem>>
      tpu.wait_dma2 semaphore(%arg9 : memref<!tpu.dma_semaphore, #tpu.memory_space<semaphore_mem>>) src(%dma_wait3A_566 : memref<80x128xf32, #tpu.memory_space<vmem>>) dst(%dma_wait3A_562 : memref<80x128xf32, #tpu.memory_space<hbm>>)
      %add3A_567 = arith.constant 6 : i32
      %add3A_568 = arith.addi %mul3A_397, %add3A_567 : i32
      %mul3A_569 = arith.constant 80 : i32
      %mul3A_570 = arith.muli %add3A_568, %mul3A_569 : i32
      %dma_start3A_571 = arith.constant 6 : i32
      %dma_start3A_572 = arith.constant 0 : i32
      %dma_start3A_573 = arith.constant 0 : i32
      %dma_start3A_574 = tpu.memref_slice %arg7[%dma_start3A_571, %dma_start3A_572, %dma_start3A_573] : memref<8x80x128xf32, #tpu.memory_space<vmem>> -> memref<1x80x128xf32, #tpu.memory_space<vmem>>
      %dma_start3A_575 = tpu.memref_squeeze %dma_start3A_574 : memref<1x80x128xf32, #tpu.memory_space<vmem>> -> memref<80x128xf32, #tpu.memory_space<vmem>>
      %dma_start3A_576 = tpu.memref_slice %arg6[%mul3A_570] : memref<25600xi32, #tpu.memory_space<vmem>> -> memref<80xi32, #tpu.memory_space<vmem>>
      %dma_start3A_577 = arith.constant 0 : i32
      %dma_start3A_578 = arith.constant 0 : i32
      %dma_start3A_579 = tpu.memref_slice %arg5[%dma_start3A_577, %dma_start3A_578] : memref<15x128xf32, #tpu.memory_space<vmem_shared>> -> memref<15x128xf32, #tpu.memory_space<vmem_shared>>
      tpu.enqueue_indirect_dma source(%dma_start3A_579 : memref<15x128xf32, #tpu.memory_space<vmem_shared>>) target(%dma_start3A_575 : memref<80x128xf32, #tpu.memory_space<vmem>>) offsets(%dma_start3A_576 : memref<80xi32, #tpu.memory_space<vmem>>) semaphore(%arg8 : memref<!tpu.dma_semaphore, #tpu.memory_space<semaphore_mem>>)
      %dma_wait3A_580 = arith.constant 7 : i32
      %dma_wait3A_581 = arith.constant 0 : i32
      %dma_wait3A_582 = arith.constant 0 : i32
      %dma_wait3A_583 = tpu.memref_slice %arg7[%dma_wait3A_580, %dma_wait3A_581, %dma_wait3A_582] : memref<8x80x128xf32, #tpu.memory_space<vmem>> -> memref<1x80x128xf32, #tpu.memory_space<vmem>>
      %dma_wait3A_584 = tpu.memref_squeeze %dma_wait3A_583 : memref<1x80x128xf32, #tpu.memory_space<vmem>> -> memref<80x128xf32, #tpu.memory_space<vmem>>
      %dma_wait3A_585 = arith.constant 0 : i32
      %dma_wait3A_586 = tpu.memref_slice %arg4[%mul3A_2, %dma_wait3A_585] : memref<819200x128xf32, #tpu.memory_space<hbm>> -> memref<80x128xf32, #tpu.memory_space<hbm>>
      %dma_wait3A_587 = arith.constant 0 : i32
      %dma_wait3A_588 = tpu.memref_slice %arg4[%mul3A_2, %dma_wait3A_587] : memref<819200x128xf32, #tpu.memory_space<hbm>> -> memref<80x128xf32, #tpu.memory_space<hbm>>
      %dma_wait3A_589 = arith.constant 0 : i32
      %dma_wait3A_590 = arith.constant 0 : i32
      %dma_wait3A_591 = tpu.memref_slice %arg7[%dma_wait3A_580, %dma_wait3A_589, %dma_wait3A_590] : memref<8x80x128xf32, #tpu.memory_space<vmem>> -> memref<1x80x128xf32, #tpu.memory_space<vmem>>
      %dma_wait3A_592 = tpu.memref_squeeze %dma_wait3A_591 : memref<1x80x128xf32, #tpu.memory_space<vmem>> -> memref<80x128xf32, #tpu.memory_space<vmem>>
      tpu.wait_dma2 semaphore(%arg9 : memref<!tpu.dma_semaphore, #tpu.memory_space<semaphore_mem>>) src(%dma_wait3A_592 : memref<80x128xf32, #tpu.memory_space<vmem>>) dst(%dma_wait3A_588 : memref<80x128xf32, #tpu.memory_space<hbm>>)
      %add3A_593 = arith.constant 7 : i32
      %add3A_594 = arith.addi %mul3A_397, %add3A_593 : i32
      %mul3A_595 = arith.constant 80 : i32
      %mul3A_596 = arith.muli %add3A_594, %mul3A_595 : i32
      %dma_start3A_597 = arith.constant 7 : i32
      %dma_start3A_598 = arith.constant 0 : i32
      %dma_start3A_599 = arith.constant 0 : i32
      %dma_start3A_600 = tpu.memref_slice %arg7[%dma_start3A_597, %dma_start3A_598, %dma_start3A_599] : memref<8x80x128xf32, #tpu.memory_space<vmem>> -> memref<1x80x128xf32, #tpu.memory_space<vmem>>
      %dma_start3A_601 = tpu.memref_squeeze %dma_start3A_600 : memref<1x80x128xf32, #tpu.memory_space<vmem>> -> memref<80x128xf32, #tpu.memory_space<vmem>>
      %dma_start3A_602 = tpu.memref_slice %arg6[%mul3A_596] : memref<25600xi32, #tpu.memory_space<vmem>> -> memref<80xi32, #tpu.memory_space<vmem>>
      %dma_start3A_603 = arith.constant 0 : i32
      %dma_start3A_604 = arith.constant 0 : i32
      %dma_start3A_605 = tpu.memref_slice %arg5[%dma_start3A_603, %dma_start3A_604] : memref<15x128xf32, #tpu.memory_space<vmem_shared>> -> memref<15x128xf32, #tpu.memory_space<vmem_shared>>
      tpu.enqueue_indirect_dma source(%dma_start3A_605 : memref<15x128xf32, #tpu.memory_space<vmem_shared>>) target(%dma_start3A_601 : memref<80x128xf32, #tpu.memory_space<vmem>>) offsets(%dma_start3A_602 : memref<80xi32, #tpu.memory_space<vmem>>) semaphore(%arg8 : memref<!tpu.dma_semaphore, #tpu.memory_space<semaphore_mem>>)
      %dma_wait3A_606 = arith.constant 0 : i32
      %dma_wait3A_607 = arith.constant 0 : i32
      %dma_wait3A_608 = arith.constant 0 : i32
      %dma_wait3A_609 = tpu.memref_slice %arg7[%dma_wait3A_606, %dma_wait3A_607, %dma_wait3A_608] : memref<8x80x128xf32, #tpu.memory_space<vmem>> -> memref<1x80x128xf32, #tpu.memory_space<vmem>>
      %dma_wait3A_610 = tpu.memref_squeeze %dma_wait3A_609 : memref<1x80x128xf32, #tpu.memory_space<vmem>> -> memref<80x128xf32, #tpu.memory_space<vmem>>
      %dma_wait3A_611 = tpu.memref_slice %arg6[%mul3A_414] : memref<25600xi32, #tpu.memory_space<vmem>> -> memref<80xi32, #tpu.memory_space<vmem>>
      %dma_wait3A_612 = arith.constant 0 : i32
      %dma_wait3A_613 = arith.constant 0 : i32
      %dma_wait3A_614 = tpu.memref_slice %arg5[%dma_wait3A_612, %dma_wait3A_613] : memref<15x128xf32, #tpu.memory_space<vmem_shared>> -> memref<15x128xf32, #tpu.memory_space<vmem_shared>>
      tpu.wait_indirect_dma semaphore(%arg8 : memref<!tpu.dma_semaphore, #tpu.memory_space<semaphore_mem>>) src(%dma_wait3A_614 : memref<15x128xf32, #tpu.memory_space<vmem_shared>>) dst(%dma_wait3A_610 : memref<80x128xf32, #tpu.memory_space<vmem>>)
      %add3A_615 = arith.constant 0 : i32
      %add3A_616 = arith.addi %mul3A_397, %add3A_615 : i32
      %mul3A_617 = arith.constant 80 : i32
      %mul3A_618 = arith.muli %add3A_616, %mul3A_617 : i32
      %add3A_619 = arith.addi %mul3A_2, %mul3A_618 : i32
      %dma_start3A_620 = arith.constant 0 : i32
      %dma_start3A_621 = arith.constant 0 : i32
      %dma_start3A_622 = arith.constant 0 : i32
      %dma_start3A_623 = tpu.memref_slice %arg7[%dma_start3A_620, %dma_start3A_621, %dma_start3A_622] : memref<8x80x128xf32, #tpu.memory_space<vmem>> -> memref<1x80x128xf32, #tpu.memory_space<vmem>>
      %dma_start3A_624 = tpu.memref_squeeze %dma_start3A_623 : memref<1x80x128xf32, #tpu.memory_space<vmem>> -> memref<80x128xf32, #tpu.memory_space<vmem>>
      %dma_start3A_625 = arith.constant 0 : i32
      %dma_start3A_626 = tpu.memref_slice %arg4[%add3A_619, %dma_start3A_625] : memref<819200x128xf32, #tpu.memory_space<hbm>> -> memref<80x128xf32, #tpu.memory_space<hbm>>
      %dma_start3A_627 = arith.constant 0 : i32
      %dma_start3A_628 = tpu.memref_slice %arg4[%add3A_619, %dma_start3A_627] : memref<819200x128xf32, #tpu.memory_space<hbm>> -> memref<80x128xf32, #tpu.memory_space<hbm>>
      %dma_start3A_629 = arith.constant 0 : i32
      %dma_start3A_630 = arith.constant 0 : i32
      %dma_start3A_631 = tpu.memref_slice %arg7[%dma_start3A_620, %dma_start3A_629, %dma_start3A_630] : memref<8x80x128xf32, #tpu.memory_space<vmem>> -> memref<1x80x128xf32, #tpu.memory_space<vmem>>
      %dma_start3A_632 = tpu.memref_squeeze %dma_start3A_631 : memref<1x80x128xf32, #tpu.memory_space<vmem>> -> memref<80x128xf32, #tpu.memory_space<vmem>>
      tpu.enqueue_dma source(%dma_start3A_632 : memref<80x128xf32, #tpu.memory_space<vmem>>) target(%dma_start3A_628 : memref<80x128xf32, #tpu.memory_space<hbm>>) target_semaphore(%arg9 : memref<!tpu.dma_semaphore, #tpu.memory_space<semaphore_mem>>)
      %dma_wait3A_633 = arith.constant 1 : i32
      %dma_wait3A_634 = arith.constant 0 : i32
      %dma_wait3A_635 = arith.constant 0 : i32
      %dma_wait3A_636 = tpu.memref_slice %arg7[%dma_wait3A_633, %dma_wait3A_634, %dma_wait3A_635] : memref<8x80x128xf32, #tpu.memory_space<vmem>> -> memref<1x80x128xf32, #tpu.memory_space<vmem>>
      %dma_wait3A_637 = tpu.memref_squeeze %dma_wait3A_636 : memref<1x80x128xf32, #tpu.memory_space<vmem>> -> memref<80x128xf32, #tpu.memory_space<vmem>>
      %dma_wait3A_638 = tpu.memref_slice %arg6[%mul3A_440] : memref<25600xi32, #tpu.memory_space<vmem>> -> memref<80xi32, #tpu.memory_space<vmem>>
      %dma_wait3A_639 = arith.constant 0 : i32
      %dma_wait3A_640 = arith.constant 0 : i32
      %dma_wait3A_641 = tpu.memref_slice %arg5[%dma_wait3A_639, %dma_wait3A_640] : memref<15x128xf32, #tpu.memory_space<vmem_shared>> -> memref<15x128xf32, #tpu.memory_space<vmem_shared>>
      tpu.wait_indirect_dma semaphore(%arg8 : memref<!tpu.dma_semaphore, #tpu.memory_space<semaphore_mem>>) src(%dma_wait3A_641 : memref<15x128xf32, #tpu.memory_space<vmem_shared>>) dst(%dma_wait3A_637 : memref<80x128xf32, #tpu.memory_space<vmem>>)
      %add3A_642 = arith.constant 1 : i32
      %add3A_643 = arith.addi %mul3A_397, %add3A_642 : i32
      %mul3A_644 = arith.constant 80 : i32
      %mul3A_645 = arith.muli %add3A_643, %mul3A_644 : i32
      %add3A_646 = arith.addi %mul3A_2, %mul3A_645 : i32
      %dma_start3A_647 = arith.constant 1 : i32
      %dma_start3A_648 = arith.constant 0 : i32
      %dma_start3A_649 = arith.constant 0 : i32
      %dma_start3A_650 = tpu.memref_slice %arg7[%dma_start3A_647, %dma_start3A_648, %dma_start3A_649] : memref<8x80x128xf32, #tpu.memory_space<vmem>> -> memref<1x80x128xf32, #tpu.memory_space<vmem>>
      %dma_start3A_651 = tpu.memref_squeeze %dma_start3A_650 : memref<1x80x128xf32, #tpu.memory_space<vmem>> -> memref<80x128xf32, #tpu.memory_space<vmem>>
      %dma_start3A_652 = arith.constant 0 : i32
      %dma_start3A_653 = tpu.memref_slice %arg4[%add3A_646, %dma_start3A_652] : memref<819200x128xf32, #tpu.memory_space<hbm>> -> memref<80x128xf32, #tpu.memory_space<hbm>>
      %dma_start3A_654 = arith.constant 0 : i32
      %dma_start3A_655 = tpu.memref_slice %arg4[%add3A_646, %dma_start3A_654] : memref<819200x128xf32, #tpu.memory_space<hbm>> -> memref<80x128xf32, #tpu.memory_space<hbm>>
      %dma_start3A_656 = arith.constant 0 : i32
      %dma_start3A_657 = arith.constant 0 : i32
      %dma_start3A_658 = tpu.memref_slice %arg7[%dma_start3A_647, %dma_start3A_656, %dma_start3A_657] : memref<8x80x128xf32, #tpu.memory_space<vmem>> -> memref<1x80x128xf32, #tpu.memory_space<vmem>>
      %dma_start3A_659 = tpu.memref_squeeze %dma_start3A_658 : memref<1x80x128xf32, #tpu.memory_space<vmem>> -> memref<80x128xf32, #tpu.memory_space<vmem>>
      tpu.enqueue_dma source(%dma_start3A_659 : memref<80x128xf32, #tpu.memory_space<vmem>>) target(%dma_start3A_655 : memref<80x128xf32, #tpu.memory_space<hbm>>) target_semaphore(%arg9 : memref<!tpu.dma_semaphore, #tpu.memory_space<semaphore_mem>>)
      %dma_wait3A_660 = arith.constant 2 : i32
      %dma_wait3A_661 = arith.constant 0 : i32
      %dma_wait3A_662 = arith.constant 0 : i32
      %dma_wait3A_663 = tpu.memref_slice %arg7[%dma_wait3A_660, %dma_wait3A_661, %dma_wait3A_662] : memref<8x80x128xf32, #tpu.memory_space<vmem>> -> memref<1x80x128xf32, #tpu.memory_space<vmem>>
      %dma_wait3A_664 = tpu.memref_squeeze %dma_wait3A_663 : memref<1x80x128xf32, #tpu.memory_space<vmem>> -> memref<80x128xf32, #tpu.memory_space<vmem>>
      %dma_wait3A_665 = tpu.memref_slice %arg6[%mul3A_466] : memref<25600xi32, #tpu.memory_space<vmem>> -> memref<80xi32, #tpu.memory_space<vmem>>
      %dma_wait3A_666 = arith.constant 0 : i32
      %dma_wait3A_667 = arith.constant 0 : i32
      %dma_wait3A_668 = tpu.memref_slice %arg5[%dma_wait3A_666, %dma_wait3A_667] : memref<15x128xf32, #tpu.memory_space<vmem_shared>> -> memref<15x128xf32, #tpu.memory_space<vmem_shared>>
      tpu.wait_indirect_dma semaphore(%arg8 : memref<!tpu.dma_semaphore, #tpu.memory_space<semaphore_mem>>) src(%dma_wait3A_668 : memref<15x128xf32, #tpu.memory_space<vmem_shared>>) dst(%dma_wait3A_664 : memref<80x128xf32, #tpu.memory_space<vmem>>)
      %add3A_669 = arith.constant 2 : i32
      %add3A_670 = arith.addi %mul3A_397, %add3A_669 : i32
      %mul3A_671 = arith.constant 80 : i32
      %mul3A_672 = arith.muli %add3A_670, %mul3A_671 : i32
      %add3A_673 = arith.addi %mul3A_2, %mul3A_672 : i32
      %dma_start3A_674 = arith.constant 2 : i32
      %dma_start3A_675 = arith.constant 0 : i32
      %dma_start3A_676 = arith.constant 0 : i32
      %dma_start3A_677 = tpu.memref_slice %arg7[%dma_start3A_674, %dma_start3A_675, %dma_start3A_676] : memref<8x80x128xf32, #tpu.memory_space<vmem>> -> memref<1x80x128xf32, #tpu.memory_space<vmem>>
      %dma_start3A_678 = tpu.memref_squeeze %dma_start3A_677 : memref<1x80x128xf32, #tpu.memory_space<vmem>> -> memref<80x128xf32, #tpu.memory_space<vmem>>
      %dma_start3A_679 = arith.constant 0 : i32
      %dma_start3A_680 = tpu.memref_slice %arg4[%add3A_673, %dma_start3A_679] : memref<819200x128xf32, #tpu.memory_space<hbm>> -> memref<80x128xf32, #tpu.memory_space<hbm>>
      %dma_start3A_681 = arith.constant 0 : i32
      %dma_start3A_682 = tpu.memref_slice %arg4[%add3A_673, %dma_start3A_681] : memref<819200x128xf32, #tpu.memory_space<hbm>> -> memref<80x128xf32, #tpu.memory_space<hbm>>
      %dma_start3A_683 = arith.constant 0 : i32
      %dma_start3A_684 = arith.constant 0 : i32
      %dma_start3A_685 = tpu.memref_slice %arg7[%dma_start3A_674, %dma_start3A_683, %dma_start3A_684] : memref<8x80x128xf32, #tpu.memory_space<vmem>> -> memref<1x80x128xf32, #tpu.memory_space<vmem>>
      %dma_start3A_686 = tpu.memref_squeeze %dma_start3A_685 : memref<1x80x128xf32, #tpu.memory_space<vmem>> -> memref<80x128xf32, #tpu.memory_space<vmem>>
      tpu.enqueue_dma source(%dma_start3A_686 : memref<80x128xf32, #tpu.memory_space<vmem>>) target(%dma_start3A_682 : memref<80x128xf32, #tpu.memory_space<hbm>>) target_semaphore(%arg9 : memref<!tpu.dma_semaphore, #tpu.memory_space<semaphore_mem>>)
      %dma_wait3A_687 = arith.constant 3 : i32
      %dma_wait3A_688 = arith.constant 0 : i32
      %dma_wait3A_689 = arith.constant 0 : i32
      %dma_wait3A_690 = tpu.memref_slice %arg7[%dma_wait3A_687, %dma_wait3A_688, %dma_wait3A_689] : memref<8x80x128xf32, #tpu.memory_space<vmem>> -> memref<1x80x128xf32, #tpu.memory_space<vmem>>
      %dma_wait3A_691 = tpu.memref_squeeze %dma_wait3A_690 : memref<1x80x128xf32, #tpu.memory_space<vmem>> -> memref<80x128xf32, #tpu.memory_space<vmem>>
      %dma_wait3A_692 = tpu.memref_slice %arg6[%mul3A_492] : memref<25600xi32, #tpu.memory_space<vmem>> -> memref<80xi32, #tpu.memory_space<vmem>>
      %dma_wait3A_693 = arith.constant 0 : i32
      %dma_wait3A_694 = arith.constant 0 : i32
      %dma_wait3A_695 = tpu.memref_slice %arg5[%dma_wait3A_693, %dma_wait3A_694] : memref<15x128xf32, #tpu.memory_space<vmem_shared>> -> memref<15x128xf32, #tpu.memory_space<vmem_shared>>
      tpu.wait_indirect_dma semaphore(%arg8 : memref<!tpu.dma_semaphore, #tpu.memory_space<semaphore_mem>>) src(%dma_wait3A_695 : memref<15x128xf32, #tpu.memory_space<vmem_shared>>) dst(%dma_wait3A_691 : memref<80x128xf32, #tpu.memory_space<vmem>>)
      %add3A_696 = arith.constant 3 : i32
      %add3A_697 = arith.addi %mul3A_397, %add3A_696 : i32
      %mul3A_698 = arith.constant 80 : i32
      %mul3A_699 = arith.muli %add3A_697, %mul3A_698 : i32
      %add3A_700 = arith.addi %mul3A_2, %mul3A_699 : i32
      %dma_start3A_701 = arith.constant 3 : i32
      %dma_start3A_702 = arith.constant 0 : i32
      %dma_start3A_703 = arith.constant 0 : i32
      %dma_start3A_704 = tpu.memref_slice %arg7[%dma_start3A_701, %dma_start3A_702, %dma_start3A_703] : memref<8x80x128xf32, #tpu.memory_space<vmem>> -> memref<1x80x128xf32, #tpu.memory_space<vmem>>
      %dma_start3A_705 = tpu.memref_squeeze %dma_start3A_704 : memref<1x80x128xf32, #tpu.memory_space<vmem>> -> memref<80x128xf32, #tpu.memory_space<vmem>>
      %dma_start3A_706 = arith.constant 0 : i32
      %dma_start3A_707 = tpu.memref_slice %arg4[%add3A_700, %dma_start3A_706] : memref<819200x128xf32, #tpu.memory_space<hbm>> -> memref<80x128xf32, #tpu.memory_space<hbm>>
      %dma_start3A_708 = arith.constant 0 : i32
      %dma_start3A_709 = tpu.memref_slice %arg4[%add3A_700, %dma_start3A_708] : memref<819200x128xf32, #tpu.memory_space<hbm>> -> memref<80x128xf32, #tpu.memory_space<hbm>>
      %dma_start3A_710 = arith.constant 0 : i32
      %dma_start3A_711 = arith.constant 0 : i32
      %dma_start3A_712 = tpu.memref_slice %arg7[%dma_start3A_701, %dma_start3A_710, %dma_start3A_711] : memref<8x80x128xf32, #tpu.memory_space<vmem>> -> memref<1x80x128xf32, #tpu.memory_space<vmem>>
      %dma_start3A_713 = tpu.memref_squeeze %dma_start3A_712 : memref<1x80x128xf32, #tpu.memory_space<vmem>> -> memref<80x128xf32, #tpu.memory_space<vmem>>
      tpu.enqueue_dma source(%dma_start3A_713 : memref<80x128xf32, #tpu.memory_space<vmem>>) target(%dma_start3A_709 : memref<80x128xf32, #tpu.memory_space<hbm>>) target_semaphore(%arg9 : memref<!tpu.dma_semaphore, #tpu.memory_space<semaphore_mem>>)
      %dma_wait3A_714 = arith.constant 4 : i32
      %dma_wait3A_715 = arith.constant 0 : i32
      %dma_wait3A_716 = arith.constant 0 : i32
      %dma_wait3A_717 = tpu.memref_slice %arg7[%dma_wait3A_714, %dma_wait3A_715, %dma_wait3A_716] : memref<8x80x128xf32, #tpu.memory_space<vmem>> -> memref<1x80x128xf32, #tpu.memory_space<vmem>>
      %dma_wait3A_718 = tpu.memref_squeeze %dma_wait3A_717 : memref<1x80x128xf32, #tpu.memory_space<vmem>> -> memref<80x128xf32, #tpu.memory_space<vmem>>
      %dma_wait3A_719 = tpu.memref_slice %arg6[%mul3A_518] : memref<25600xi32, #tpu.memory_space<vmem>> -> memref<80xi32, #tpu.memory_space<vmem>>
      %dma_wait3A_720 = arith.constant 0 : i32
      %dma_wait3A_721 = arith.constant 0 : i32
      %dma_wait3A_722 = tpu.memref_slice %arg5[%dma_wait3A_720, %dma_wait3A_721] : memref<15x128xf32, #tpu.memory_space<vmem_shared>> -> memref<15x128xf32, #tpu.memory_space<vmem_shared>>
      tpu.wait_indirect_dma semaphore(%arg8 : memref<!tpu.dma_semaphore, #tpu.memory_space<semaphore_mem>>) src(%dma_wait3A_722 : memref<15x128xf32, #tpu.memory_space<vmem_shared>>) dst(%dma_wait3A_718 : memref<80x128xf32, #tpu.memory_space<vmem>>)
      %add3A_723 = arith.constant 4 : i32
      %add3A_724 = arith.addi %mul3A_397, %add3A_723 : i32
      %mul3A_725 = arith.constant 80 : i32
      %mul3A_726 = arith.muli %add3A_724, %mul3A_725 : i32
      %add3A_727 = arith.addi %mul3A_2, %mul3A_726 : i32
      %dma_start3A_728 = arith.constant 4 : i32
      %dma_start3A_729 = arith.constant 0 : i32
      %dma_start3A_730 = arith.constant 0 : i32
      %dma_start3A_731 = tpu.memref_slice %arg7[%dma_start3A_728, %dma_start3A_729, %dma_start3A_730] : memref<8x80x128xf32, #tpu.memory_space<vmem>> -> memref<1x80x128xf32, #tpu.memory_space<vmem>>
      %dma_start3A_732 = tpu.memref_squeeze %dma_start3A_731 : memref<1x80x128xf32, #tpu.memory_space<vmem>> -> memref<80x128xf32, #tpu.memory_space<vmem>>
      %dma_start3A_733 = arith.constant 0 : i32
      %dma_start3A_734 = tpu.memref_slice %arg4[%add3A_727, %dma_start3A_733] : memref<819200x128xf32, #tpu.memory_space<hbm>> -> memref<80x128xf32, #tpu.memory_space<hbm>>
      %dma_start3A_735 = arith.constant 0 : i32
      %dma_start3A_736 = tpu.memref_slice %arg4[%add3A_727, %dma_start3A_735] : memref<819200x128xf32, #tpu.memory_space<hbm>> -> memref<80x128xf32, #tpu.memory_space<hbm>>
      %dma_start3A_737 = arith.constant 0 : i32
      %dma_start3A_738 = arith.constant 0 : i32
      %dma_start3A_739 = tpu.memref_slice %arg7[%dma_start3A_728, %dma_start3A_737, %dma_start3A_738] : memref<8x80x128xf32, #tpu.memory_space<vmem>> -> memref<1x80x128xf32, #tpu.memory_space<vmem>>
      %dma_start3A_740 = tpu.memref_squeeze %dma_start3A_739 : memref<1x80x128xf32, #tpu.memory_space<vmem>> -> memref<80x128xf32, #tpu.memory_space<vmem>>
      tpu.enqueue_dma source(%dma_start3A_740 : memref<80x128xf32, #tpu.memory_space<vmem>>) target(%dma_start3A_736 : memref<80x128xf32, #tpu.memory_space<hbm>>) target_semaphore(%arg9 : memref<!tpu.dma_semaphore, #tpu.memory_space<semaphore_mem>>)
      %dma_wait3A_741 = arith.constant 5 : i32
      %dma_wait3A_742 = arith.constant 0 : i32
      %dma_wait3A_743 = arith.constant 0 : i32
      %dma_wait3A_744 = tpu.memref_slice %arg7[%dma_wait3A_741, %dma_wait3A_742, %dma_wait3A_743] : memref<8x80x128xf32, #tpu.memory_space<vmem>> -> memref<1x80x128xf32, #tpu.memory_space<vmem>>
      %dma_wait3A_745 = tpu.memref_squeeze %dma_wait3A_744 : memref<1x80x128xf32, #tpu.memory_space<vmem>> -> memref<80x128xf32, #tpu.memory_space<vmem>>
      %dma_wait3A_746 = tpu.memref_slice %arg6[%mul3A_544] : memref<25600xi32, #tpu.memory_space<vmem>> -> memref<80xi32, #tpu.memory_space<vmem>>
      %dma_wait3A_747 = arith.constant 0 : i32
      %dma_wait3A_748 = arith.constant 0 : i32
      %dma_wait3A_749 = tpu.memref_slice %arg5[%dma_wait3A_747, %dma_wait3A_748] : memref<15x128xf32, #tpu.memory_space<vmem_shared>> -> memref<15x128xf32, #tpu.memory_space<vmem_shared>>
      tpu.wait_indirect_dma semaphore(%arg8 : memref<!tpu.dma_semaphore, #tpu.memory_space<semaphore_mem>>) src(%dma_wait3A_749 : memref<15x128xf32, #tpu.memory_space<vmem_shared>>) dst(%dma_wait3A_745 : memref<80x128xf32, #tpu.memory_space<vmem>>)
      %add3A_750 = arith.constant 5 : i32
      %add3A_751 = arith.addi %mul3A_397, %add3A_750 : i32
      %mul3A_752 = arith.constant 80 : i32
      %mul3A_753 = arith.muli %add3A_751, %mul3A_752 : i32
      %add3A_754 = arith.addi %mul3A_2, %mul3A_753 : i32
      %dma_start3A_755 = arith.constant 5 : i32
      %dma_start3A_756 = arith.constant 0 : i32
      %dma_start3A_757 = arith.constant 0 : i32
      %dma_start3A_758 = tpu.memref_slice %arg7[%dma_start3A_755, %dma_start3A_756, %dma_start3A_757] : memref<8x80x128xf32, #tpu.memory_space<vmem>> -> memref<1x80x128xf32, #tpu.memory_space<vmem>>
      %dma_start3A_759 = tpu.memref_squeeze %dma_start3A_758 : memref<1x80x128xf32, #tpu.memory_space<vmem>> -> memref<80x128xf32, #tpu.memory_space<vmem>>
      %dma_start3A_760 = arith.constant 0 : i32
      %dma_start3A_761 = tpu.memref_slice %arg4[%add3A_754, %dma_start3A_760] : memref<819200x128xf32, #tpu.memory_space<hbm>> -> memref<80x128xf32, #tpu.memory_space<hbm>>
      %dma_start3A_762 = arith.constant 0 : i32
      %dma_start3A_763 = tpu.memref_slice %arg4[%add3A_754, %dma_start3A_762] : memref<819200x128xf32, #tpu.memory_space<hbm>> -> memref<80x128xf32, #tpu.memory_space<hbm>>
      %dma_start3A_764 = arith.constant 0 : i32
      %dma_start3A_765 = arith.constant 0 : i32
      %dma_start3A_766 = tpu.memref_slice %arg7[%dma_start3A_755, %dma_start3A_764, %dma_start3A_765] : memref<8x80x128xf32, #tpu.memory_space<vmem>> -> memref<1x80x128xf32, #tpu.memory_space<vmem>>
      %dma_start3A_767 = tpu.memref_squeeze %dma_start3A_766 : memref<1x80x128xf32, #tpu.memory_space<vmem>> -> memref<80x128xf32, #tpu.memory_space<vmem>>
      tpu.enqueue_dma source(%dma_start3A_767 : memref<80x128xf32, #tpu.memory_space<vmem>>) target(%dma_start3A_763 : memref<80x128xf32, #tpu.memory_space<hbm>>) target_semaphore(%arg9 : memref<!tpu.dma_semaphore, #tpu.memory_space<semaphore_mem>>)
      %dma_wait3A_768 = arith.constant 6 : i32
      %dma_wait3A_769 = arith.constant 0 : i32
      %dma_wait3A_770 = arith.constant 0 : i32
      %dma_wait3A_771 = tpu.memref_slice %arg7[%dma_wait3A_768, %dma_wait3A_769, %dma_wait3A_770] : memref<8x80x128xf32, #tpu.memory_space<vmem>> -> memref<1x80x128xf32, #tpu.memory_space<vmem>>
      %dma_wait3A_772 = tpu.memref_squeeze %dma_wait3A_771 : memref<1x80x128xf32, #tpu.memory_space<vmem>> -> memref<80x128xf32, #tpu.memory_space<vmem>>
      %dma_wait3A_773 = tpu.memref_slice %arg6[%mul3A_570] : memref<25600xi32, #tpu.memory_space<vmem>> -> memref<80xi32, #tpu.memory_space<vmem>>
      %dma_wait3A_774 = arith.constant 0 : i32
      %dma_wait3A_775 = arith.constant 0 : i32
      %dma_wait3A_776 = tpu.memref_slice %arg5[%dma_wait3A_774, %dma_wait3A_775] : memref<15x128xf32, #tpu.memory_space<vmem_shared>> -> memref<15x128xf32, #tpu.memory_space<vmem_shared>>
      tpu.wait_indirect_dma semaphore(%arg8 : memref<!tpu.dma_semaphore, #tpu.memory_space<semaphore_mem>>) src(%dma_wait3A_776 : memref<15x128xf32, #tpu.memory_space<vmem_shared>>) dst(%dma_wait3A_772 : memref<80x128xf32, #tpu.memory_space<vmem>>)
      %add3A_777 = arith.constant 6 : i32
      %add3A_778 = arith.addi %mul3A_397, %add3A_777 : i32
      %mul3A_779 = arith.constant 80 : i32
      %mul3A_780 = arith.muli %add3A_778, %mul3A_779 : i32
      %add3A_781 = arith.addi %mul3A_2, %mul3A_780 : i32
      %dma_start3A_782 = arith.constant 6 : i32
      %dma_start3A_783 = arith.constant 0 : i32
      %dma_start3A_784 = arith.constant 0 : i32
      %dma_start3A_785 = tpu.memref_slice %arg7[%dma_start3A_782, %dma_start3A_783, %dma_start3A_784] : memref<8x80x128xf32, #tpu.memory_space<vmem>> -> memref<1x80x128xf32, #tpu.memory_space<vmem>>
      %dma_start3A_786 = tpu.memref_squeeze %dma_start3A_785 : memref<1x80x128xf32, #tpu.memory_space<vmem>> -> memref<80x128xf32, #tpu.memory_space<vmem>>
      %dma_start3A_787 = arith.constant 0 : i32
      %dma_start3A_788 = tpu.memref_slice %arg4[%add3A_781, %dma_start3A_787] : memref<819200x128xf32, #tpu.memory_space<hbm>> -> memref<80x128xf32, #tpu.memory_space<hbm>>
      %dma_start3A_789 = arith.constant 0 : i32
      %dma_start3A_790 = tpu.memref_slice %arg4[%add3A_781, %dma_start3A_789] : memref<819200x128xf32, #tpu.memory_space<hbm>> -> memref<80x128xf32, #tpu.memory_space<hbm>>
      %dma_start3A_791 = arith.constant 0 : i32
      %dma_start3A_792 = arith.constant 0 : i32
      %dma_start3A_793 = tpu.memref_slice %arg7[%dma_start3A_782, %dma_start3A_791, %dma_start3A_792] : memref<8x80x128xf32, #tpu.memory_space<vmem>> -> memref<1x80x128xf32, #tpu.memory_space<vmem>>
      %dma_start3A_794 = tpu.memref_squeeze %dma_start3A_793 : memref<1x80x128xf32, #tpu.memory_space<vmem>> -> memref<80x128xf32, #tpu.memory_space<vmem>>
      tpu.enqueue_dma source(%dma_start3A_794 : memref<80x128xf32, #tpu.memory_space<vmem>>) target(%dma_start3A_790 : memref<80x128xf32, #tpu.memory_space<hbm>>) target_semaphore(%arg9 : memref<!tpu.dma_semaphore, #tpu.memory_space<semaphore_mem>>)
      %dma_wait3A_795 = arith.constant 7 : i32
      %dma_wait3A_796 = arith.constant 0 : i32
      %dma_wait3A_797 = arith.constant 0 : i32
      %dma_wait3A_798 = tpu.memref_slice %arg7[%dma_wait3A_795, %dma_wait3A_796, %dma_wait3A_797] : memref<8x80x128xf32, #tpu.memory_space<vmem>> -> memref<1x80x128xf32, #tpu.memory_space<vmem>>
      %dma_wait3A_799 = tpu.memref_squeeze %dma_wait3A_798 : memref<1x80x128xf32, #tpu.memory_space<vmem>> -> memref<80x128xf32, #tpu.memory_space<vmem>>
      %dma_wait3A_800 = tpu.memref_slice %arg6[%mul3A_596] : memref<25600xi32, #tpu.memory_space<vmem>> -> memref<80xi32, #tpu.memory_space<vmem>>
      %dma_wait3A_801 = arith.constant 0 : i32
      %dma_wait3A_802 = arith.constant 0 : i32
      %dma_wait3A_803 = tpu.memref_slice %arg5[%dma_wait3A_801, %dma_wait3A_802] : memref<15x128xf32, #tpu.memory_space<vmem_shared>> -> memref<15x128xf32, #tpu.memory_space<vmem_shared>>
      tpu.wait_indirect_dma semaphore(%arg8 : memref<!tpu.dma_semaphore, #tpu.memory_space<semaphore_mem>>) src(%dma_wait3A_803 : memref<15x128xf32, #tpu.memory_space<vmem_shared>>) dst(%dma_wait3A_799 : memref<80x128xf32, #tpu.memory_space<vmem>>)
      %add3A_804 = arith.constant 7 : i32
      %add3A_805 = arith.addi %mul3A_397, %add3A_804 : i32
      %mul3A_806 = arith.constant 80 : i32
      %mul3A_807 = arith.muli %add3A_805, %mul3A_806 : i32
      %add3A_808 = arith.addi %mul3A_2, %mul3A_807 : i32
      %dma_start3A_809 = arith.constant 7 : i32
      %dma_start3A_810 = arith.constant 0 : i32
      %dma_start3A_811 = arith.constant 0 : i32
      %dma_start3A_812 = tpu.memref_slice %arg7[%dma_start3A_809, %dma_start3A_810, %dma_start3A_811] : memref<8x80x128xf32, #tpu.memory_space<vmem>> -> memref<1x80x128xf32, #tpu.memory_space<vmem>>
      %dma_start3A_813 = tpu.memref_squeeze %dma_start3A_812 : memref<1x80x128xf32, #tpu.memory_space<vmem>> -> memref<80x128xf32, #tpu.memory_space<vmem>>
      %dma_start3A_814 = arith.constant 0 : i32
      %dma_start3A_815 = tpu.memref_slice %arg4[%add3A_808, %dma_start3A_814] : memref<819200x128xf32, #tpu.memory_space<hbm>> -> memref<80x128xf32, #tpu.memory_space<hbm>>
      %dma_start3A_816 = arith.constant 0 : i32
      %dma_start3A_817 = tpu.memref_slice %arg4[%add3A_808, %dma_start3A_816] : memref<819200x128xf32, #tpu.memory_space<hbm>> -> memref<80x128xf32, #tpu.memory_space<hbm>>
      %dma_start3A_818 = arith.constant 0 : i32
      %dma_start3A_819 = arith.constant 0 : i32
      %dma_start3A_820 = tpu.memref_slice %arg7[%dma_start3A_809, %dma_start3A_818, %dma_start3A_819] : memref<8x80x128xf32, #tpu.memory_space<vmem>> -> memref<1x80x128xf32, #tpu.memory_space<vmem>>
      %dma_start3A_821 = tpu.memref_squeeze %dma_start3A_820 : memref<1x80x128xf32, #tpu.memory_space<vmem>> -> memref<80x128xf32, #tpu.memory_space<vmem>>
      tpu.enqueue_dma source(%dma_start3A_821 : memref<80x128xf32, #tpu.memory_space<vmem>>) target(%dma_start3A_817 : memref<80x128xf32, #tpu.memory_space<hbm>>) target_semaphore(%arg9 : memref<!tpu.dma_semaphore, #tpu.memory_space<semaphore_mem>>)
    }
    %scan3A_286 = arith.constant 39 : i32
    %dma_wait3A_287 = arith.constant 0 : i32
    %dma_wait3A_288 = arith.constant 0 : i32
    %dma_wait3A_289 = arith.constant 0 : i32
    %dma_wait3A_290 = tpu.memref_slice %arg7[%dma_wait3A_287, %dma_wait3A_288, %dma_wait3A_289] : memref<8x80x128xf32, #tpu.memory_space<vmem>> -> memref<1x80x128xf32, #tpu.memory_space<vmem>>
    %dma_wait3A_291 = tpu.memref_squeeze %dma_wait3A_290 : memref<1x80x128xf32, #tpu.memory_space<vmem>> -> memref<80x128xf32, #tpu.memory_space<vmem>>
    %dma_wait3A_292 = arith.constant 0 : i32
    %dma_wait3A_293 = tpu.memref_slice %arg4[%mul3A_2, %dma_wait3A_292] : memref<819200x128xf32, #tpu.memory_space<hbm>> -> memref<80x128xf32, #tpu.memory_space<hbm>>
    %dma_wait3A_294 = arith.constant 0 : i32
    %dma_wait3A_295 = tpu.memref_slice %arg4[%mul3A_2, %dma_wait3A_294] : memref<819200x128xf32, #tpu.memory_space<hbm>> -> memref<80x128xf32, #tpu.memory_space<hbm>>
    %dma_wait3A_296 = arith.constant 0 : i32
    %dma_wait3A_297 = arith.constant 0 : i32
    %dma_wait3A_298 = tpu.memref_slice %arg7[%dma_wait3A_287, %dma_wait3A_296, %dma_wait3A_297] : memref<8x80x128xf32, #tpu.memory_space<vmem>> -> memref<1x80x128xf32, #tpu.memory_space<vmem>>
    %dma_wait3A_299 = tpu.memref_squeeze %dma_wait3A_298 : memref<1x80x128xf32, #tpu.memory_space<vmem>> -> memref<80x128xf32, #tpu.memory_space<vmem>>
    tpu.wait_dma2 semaphore(%arg9 : memref<!tpu.dma_semaphore, #tpu.memory_space<semaphore_mem>>) src(%dma_wait3A_299 : memref<80x128xf32, #tpu.memory_space<vmem>>) dst(%dma_wait3A_295 : memref<80x128xf32, #tpu.memory_space<hbm>>)
    %dma_wait3A_300 = arith.constant 1 : i32
    %dma_wait3A_301 = arith.constant 0 : i32
    %dma_wait3A_302 = arith.constant 0 : i32
    %dma_wait3A_303 = tpu.memref_slice %arg7[%dma_wait3A_300, %dma_wait3A_301, %dma_wait3A_302] : memref<8x80x128xf32, #tpu.memory_space<vmem>> -> memref<1x80x128xf32, #tpu.memory_space<vmem>>
    %dma_wait3A_304 = tpu.memref_squeeze %dma_wait3A_303 : memref<1x80x128xf32, #tpu.memory_space<vmem>> -> memref<80x128xf32, #tpu.memory_space<vmem>>
    %dma_wait3A_305 = arith.constant 0 : i32
    %dma_wait3A_306 = tpu.memref_slice %arg4[%mul3A_2, %dma_wait3A_305] : memref<819200x128xf32, #tpu.memory_space<hbm>> -> memref<80x128xf32, #tpu.memory_space<hbm>>
    %dma_wait3A_307 = arith.constant 0 : i32
    %dma_wait3A_308 = tpu.memref_slice %arg4[%mul3A_2, %dma_wait3A_307] : memref<819200x128xf32, #tpu.memory_space<hbm>> -> memref<80x128xf32, #tpu.memory_space<hbm>>
    %dma_wait3A_309 = arith.constant 0 : i32
    %dma_wait3A_310 = arith.constant 0 : i32
    %dma_wait3A_311 = tpu.memref_slice %arg7[%dma_wait3A_300, %dma_wait3A_309, %dma_wait3A_310] : memref<8x80x128xf32, #tpu.memory_space<vmem>> -> memref<1x80x128xf32, #tpu.memory_space<vmem>>
    %dma_wait3A_312 = tpu.memref_squeeze %dma_wait3A_311 : memref<1x80x128xf32, #tpu.memory_space<vmem>> -> memref<80x128xf32, #tpu.memory_space<vmem>>
    tpu.wait_dma2 semaphore(%arg9 : memref<!tpu.dma_semaphore, #tpu.memory_space<semaphore_mem>>) src(%dma_wait3A_312 : memref<80x128xf32, #tpu.memory_space<vmem>>) dst(%dma_wait3A_308 : memref<80x128xf32, #tpu.memory_space<hbm>>)
    %dma_wait3A_313 = arith.constant 2 : i32
    %dma_wait3A_314 = arith.constant 0 : i32
    %dma_wait3A_315 = arith.constant 0 : i32
    %dma_wait3A_316 = tpu.memref_slice %arg7[%dma_wait3A_313, %dma_wait3A_314, %dma_wait3A_315] : memref<8x80x128xf32, #tpu.memory_space<vmem>> -> memref<1x80x128xf32, #tpu.memory_space<vmem>>
    %dma_wait3A_317 = tpu.memref_squeeze %dma_wait3A_316 : memref<1x80x128xf32, #tpu.memory_space<vmem>> -> memref<80x128xf32, #tpu.memory_space<vmem>>
    %dma_wait3A_318 = arith.constant 0 : i32
    %dma_wait3A_319 = tpu.memref_slice %arg4[%mul3A_2, %dma_wait3A_318] : memref<819200x128xf32, #tpu.memory_space<hbm>> -> memref<80x128xf32, #tpu.memory_space<hbm>>
    %dma_wait3A_320 = arith.constant 0 : i32
    %dma_wait3A_321 = tpu.memref_slice %arg4[%mul3A_2, %dma_wait3A_320] : memref<819200x128xf32, #tpu.memory_space<hbm>> -> memref<80x128xf32, #tpu.memory_space<hbm>>
    %dma_wait3A_322 = arith.constant 0 : i32
    %dma_wait3A_323 = arith.constant 0 : i32
    %dma_wait3A_324 = tpu.memref_slice %arg7[%dma_wait3A_313, %dma_wait3A_322, %dma_wait3A_323] : memref<8x80x128xf32, #tpu.memory_space<vmem>> -> memref<1x80x128xf32, #tpu.memory_space<vmem>>
    %dma_wait3A_325 = tpu.memref_squeeze %dma_wait3A_324 : memref<1x80x128xf32, #tpu.memory_space<vmem>> -> memref<80x128xf32, #tpu.memory_space<vmem>>
    tpu.wait_dma2 semaphore(%arg9 : memref<!tpu.dma_semaphore, #tpu.memory_space<semaphore_mem>>) src(%dma_wait3A_325 : memref<80x128xf32, #tpu.memory_space<vmem>>) dst(%dma_wait3A_321 : memref<80x128xf32, #tpu.memory_space<hbm>>)
    %dma_wait3A_326 = arith.constant 3 : i32
    %dma_wait3A_327 = arith.constant 0 : i32
    %dma_wait3A_328 = arith.constant 0 : i32
    %dma_wait3A_329 = tpu.memref_slice %arg7[%dma_wait3A_326, %dma_wait3A_327, %dma_wait3A_328] : memref<8x80x128xf32, #tpu.memory_space<vmem>> -> memref<1x80x128xf32, #tpu.memory_space<vmem>>
    %dma_wait3A_330 = tpu.memref_squeeze %dma_wait3A_329 : memref<1x80x128xf32, #tpu.memory_space<vmem>> -> memref<80x128xf32, #tpu.memory_space<vmem>>
    %dma_wait3A_331 = arith.constant 0 : i32
    %dma_wait3A_332 = tpu.memref_slice %arg4[%mul3A_2, %dma_wait3A_331] : memref<819200x128xf32, #tpu.memory_space<hbm>> -> memref<80x128xf32, #tpu.memory_space<hbm>>
    %dma_wait3A_333 = arith.constant 0 : i32
    %dma_wait3A_334 = tpu.memref_slice %arg4[%mul3A_2, %dma_wait3A_333] : memref<819200x128xf32, #tpu.memory_space<hbm>> -> memref<80x128xf32, #tpu.memory_space<hbm>>
    %dma_wait3A_335 = arith.constant 0 : i32
    %dma_wait3A_336 = arith.constant 0 : i32
    %dma_wait3A_337 = tpu.memref_slice %arg7[%dma_wait3A_326, %dma_wait3A_335, %dma_wait3A_336] : memref<8x80x128xf32, #tpu.memory_space<vmem>> -> memref<1x80x128xf32, #tpu.memory_space<vmem>>
    %dma_wait3A_338 = tpu.memref_squeeze %dma_wait3A_337 : memref<1x80x128xf32, #tpu.memory_space<vmem>> -> memref<80x128xf32, #tpu.memory_space<vmem>>
    tpu.wait_dma2 semaphore(%arg9 : memref<!tpu.dma_semaphore, #tpu.memory_space<semaphore_mem>>) src(%dma_wait3A_338 : memref<80x128xf32, #tpu.memory_space<vmem>>) dst(%dma_wait3A_334 : memref<80x128xf32, #tpu.memory_space<hbm>>)
    %dma_wait3A_339 = arith.constant 4 : i32
    %dma_wait3A_340 = arith.constant 0 : i32
    %dma_wait3A_341 = arith.constant 0 : i32
    %dma_wait3A_342 = tpu.memref_slice %arg7[%dma_wait3A_339, %dma_wait3A_340, %dma_wait3A_341] : memref<8x80x128xf32, #tpu.memory_space<vmem>> -> memref<1x80x128xf32, #tpu.memory_space<vmem>>
    %dma_wait3A_343 = tpu.memref_squeeze %dma_wait3A_342 : memref<1x80x128xf32, #tpu.memory_space<vmem>> -> memref<80x128xf32, #tpu.memory_space<vmem>>
    %dma_wait3A_344 = arith.constant 0 : i32
    %dma_wait3A_345 = tpu.memref_slice %arg4[%mul3A_2, %dma_wait3A_344] : memref<819200x128xf32, #tpu.memory_space<hbm>> -> memref<80x128xf32, #tpu.memory_space<hbm>>
    %dma_wait3A_346 = arith.constant 0 : i32
    %dma_wait3A_347 = tpu.memref_slice %arg4[%mul3A_2, %dma_wait3A_346] : memref<819200x128xf32, #tpu.memory_space<hbm>> -> memref<80x128xf32, #tpu.memory_space<hbm>>
    %dma_wait3A_348 = arith.constant 0 : i32
    %dma_wait3A_349 = arith.constant 0 : i32
    %dma_wait3A_350 = tpu.memref_slice %arg7[%dma_wait3A_339, %dma_wait3A_348, %dma_wait3A_349] : memref<8x80x128xf32, #tpu.memory_space<vmem>> -> memref<1x80x128xf32, #tpu.memory_space<vmem>>
    %dma_wait3A_351 = tpu.memref_squeeze %dma_wait3A_350 : memref<1x80x128xf32, #tpu.memory_space<vmem>> -> memref<80x128xf32, #tpu.memory_space<vmem>>
    tpu.wait_dma2 semaphore(%arg9 : memref<!tpu.dma_semaphore, #tpu.memory_space<semaphore_mem>>) src(%dma_wait3A_351 : memref<80x128xf32, #tpu.memory_space<vmem>>) dst(%dma_wait3A_347 : memref<80x128xf32, #tpu.memory_space<hbm>>)
    %dma_wait3A_352 = arith.constant 5 : i32
    %dma_wait3A_353 = arith.constant 0 : i32
    %dma_wait3A_354 = arith.constant 0 : i32
    %dma_wait3A_355 = tpu.memref_slice %arg7[%dma_wait3A_352, %dma_wait3A_353, %dma_wait3A_354] : memref<8x80x128xf32, #tpu.memory_space<vmem>> -> memref<1x80x128xf32, #tpu.memory_space<vmem>>
    %dma_wait3A_356 = tpu.memref_squeeze %dma_wait3A_355 : memref<1x80x128xf32, #tpu.memory_space<vmem>> -> memref<80x128xf32, #tpu.memory_space<vmem>>
    %dma_wait3A_357 = arith.constant 0 : i32
    %dma_wait3A_358 = tpu.memref_slice %arg4[%mul3A_2, %dma_wait3A_357] : memref<819200x128xf32, #tpu.memory_space<hbm>> -> memref<80x128xf32, #tpu.memory_space<hbm>>
    %dma_wait3A_359 = arith.constant 0 : i32
    %dma_wait3A_360 = tpu.memref_slice %arg4[%mul3A_2, %dma_wait3A_359] : memref<819200x128xf32, #tpu.memory_space<hbm>> -> memref<80x128xf32, #tpu.memory_space<hbm>>
    %dma_wait3A_361 = arith.constant 0 : i32
    %dma_wait3A_362 = arith.constant 0 : i32
    %dma_wait3A_363 = tpu.memref_slice %arg7[%dma_wait3A_352, %dma_wait3A_361, %dma_wait3A_362] : memref<8x80x128xf32, #tpu.memory_space<vmem>> -> memref<1x80x128xf32, #tpu.memory_space<vmem>>
    %dma_wait3A_364 = tpu.memref_squeeze %dma_wait3A_363 : memref<1x80x128xf32, #tpu.memory_space<vmem>> -> memref<80x128xf32, #tpu.memory_space<vmem>>
    tpu.wait_dma2 semaphore(%arg9 : memref<!tpu.dma_semaphore, #tpu.memory_space<semaphore_mem>>) src(%dma_wait3A_364 : memref<80x128xf32, #tpu.memory_space<vmem>>) dst(%dma_wait3A_360 : memref<80x128xf32, #tpu.memory_space<hbm>>)
    %dma_wait3A_365 = arith.constant 6 : i32
    %dma_wait3A_366 = arith.constant 0 : i32
    %dma_wait3A_367 = arith.constant 0 : i32
    %dma_wait3A_368 = tpu.memref_slice %arg7[%dma_wait3A_365, %dma_wait3A_366, %dma_wait3A_367] : memref<8x80x128xf32, #tpu.memory_space<vmem>> -> memref<1x80x128xf32, #tpu.memory_space<vmem>>
    %dma_wait3A_369 = tpu.memref_squeeze %dma_wait3A_368 : memref<1x80x128xf32, #tpu.memory_space<vmem>> -> memref<80x128xf32, #tpu.memory_space<vmem>>
    %dma_wait3A_370 = arith.constant 0 : i32
    %dma_wait3A_371 = tpu.memref_slice %arg4[%mul3A_2, %dma_wait3A_370] : memref<819200x128xf32, #tpu.memory_space<hbm>> -> memref<80x128xf32, #tpu.memory_space<hbm>>
    %dma_wait3A_372 = arith.constant 0 : i32
    %dma_wait3A_373 = tpu.memref_slice %arg4[%mul3A_2, %dma_wait3A_372] : memref<819200x128xf32, #tpu.memory_space<hbm>> -> memref<80x128xf32, #tpu.memory_space<hbm>>
    %dma_wait3A_374 = arith.constant 0 : i32
    %dma_wait3A_375 = arith.constant 0 : i32
    %dma_wait3A_376 = tpu.memref_slice %arg7[%dma_wait3A_365, %dma_wait3A_374, %dma_wait3A_375] : memref<8x80x128xf32, #tpu.memory_space<vmem>> -> memref<1x80x128xf32, #tpu.memory_space<vmem>>
    %dma_wait3A_377 = tpu.memref_squeeze %dma_wait3A_376 : memref<1x80x128xf32, #tpu.memory_space<vmem>> -> memref<80x128xf32, #tpu.memory_space<vmem>>
    tpu.wait_dma2 semaphore(%arg9 : memref<!tpu.dma_semaphore, #tpu.memory_space<semaphore_mem>>) src(%dma_wait3A_377 : memref<80x128xf32, #tpu.memory_space<vmem>>) dst(%dma_wait3A_373 : memref<80x128xf32, #tpu.memory_space<hbm>>)
    %dma_wait3A_378 = arith.constant 7 : i32
    %dma_wait3A_379 = arith.constant 0 : i32
    %dma_wait3A_380 = arith.constant 0 : i32
    %dma_wait3A_381 = tpu.memref_slice %arg7[%dma_wait3A_378, %dma_wait3A_379, %dma_wait3A_380] : memref<8x80x128xf32, #tpu.memory_space<vmem>> -> memref<1x80x128xf32, #tpu.memory_space<vmem>>
    %dma_wait3A_382 = tpu.memref_squeeze %dma_wait3A_381 : memref<1x80x128xf32, #tpu.memory_space<vmem>> -> memref<80x128xf32, #tpu.memory_space<vmem>>
    %dma_wait3A_383 = arith.constant 0 : i32
    %dma_wait3A_384 = tpu.memref_slice %arg4[%mul3A_2, %dma_wait3A_383] : memref<819200x128xf32, #tpu.memory_space<hbm>> -> memref<80x128xf32, #tpu.memory_space<hbm>>
    %dma_wait3A_385 = arith.constant 0 : i32
    %dma_wait3A_386 = tpu.memref_slice %arg4[%mul3A_2, %dma_wait3A_385] : memref<819200x128xf32, #tpu.memory_space<hbm>> -> memref<80x128xf32, #tpu.memory_space<hbm>>
    %dma_wait3A_387 = arith.constant 0 : i32
    %dma_wait3A_388 = arith.constant 0 : i32
    %dma_wait3A_389 = tpu.memref_slice %arg7[%dma_wait3A_378, %dma_wait3A_387, %dma_wait3A_388] : memref<8x80x128xf32, #tpu.memory_space<vmem>> -> memref<1x80x128xf32, #tpu.memory_space<vmem>>
    %dma_wait3A_390 = tpu.memref_squeeze %dma_wait3A_389 : memref<1x80x128xf32, #tpu.memory_space<vmem>> -> memref<80x128xf32, #tpu.memory_space<vmem>>
    tpu.wait_dma2 semaphore(%arg9 : memref<!tpu.dma_semaphore, #tpu.memory_space<semaphore_mem>>) src(%dma_wait3A_390 : memref<80x128xf32, #tpu.memory_space<vmem>>) dst(%dma_wait3A_386 : memref<80x128xf32, #tpu.memory_space<hbm>>)
    return
  }
}

</mosaic_0001>

<sc_bundles>
// kernel: kernel.3.cloned.1.call-start
scs
__scs_entry_jumppad:
0x0: {  	(pc) =	sbr.rel $0x88, $3  }
0x1: {  	(tag) =	ssettag $0x0;
	lr =	simm.s32 $0x1  }
0x2: {  	[smem:$0x3F9F] =	sst lr;
	_ =	strace $0xD0000000  }
0x3: {  	_ = 	snop  }
0x4: {  	_ = 	snop  }
0x5: {  	_ = 	snop  }
0x6: {  	_ = 	snop  }
0x7: {  	_ = 	snop  }
__scs_overlays_trampoline_lowered:
0x8: {  	[smem:$0x3FAE] =	sst s0  }
0x9: {  	[smem:$0x3FAF] =	sst s1  }
0xa: {  	[smem:$0x3FB0] =	sst s2  }
0xb: {  	[smem:$0x3FB1] =	sst s3  }
0xc: {  	[smem:$0x3FB2] =	sst s4  }
0xd: {  	[smem:$0x3FB3] =	sst s5  }
0xe: {  	[smem:$0x3FB4] =	sst s6  }
0xf: {  	[smem:$0x3FB5] =	sst s7  }
0x10: {  	[smem:$0x3FB6] =	sst s8  }
0x11: {  	[smem:$0x3FB7] =	sst s9;
	s0 =	simm.s32 @!p0 $0x0  }
0x12: {  	s1 =	sld [smem:$0x3F9D];
	s0 =	simm.s32 @p0 $0x1  }
0x13: {  	[smem:$0x3FB8] =	sst s0;
	s0 =	simm.s32 @!p1 $0x0  }
0x14: {  	s2 =	sld [smem:$0x3F9C];
	s0 =	simm.s32 @p1 $0x1  }
0x15: {  	[smem:$0x3FB9] =	sst s0;
	s0 =	simm.s32 @!p2 $0x0  }
0x16: {  	s3 =	sld [smem:$0x3FDB];
	s0 =	simm.s32 @p2 $0x1  }
0x17: {  	s4 =	simm.s32 $0x1BF5;
	[smem:$0x3FBB] =	sst s0  }
0x18: {  	s0 =	sld [smem:$0x3F9E];
	_ =	swait.ge [sflag:s4], $0x0  }
0x19: {  	s7 =	sld [smem:$0x3F9F]  }
0x1a: {  	s8 =	sadd.s32 $0xFFFFE003, lr  }
0x1b: {  	s9 =	sadd.s32 $0xFFFFFEF7, lr;
	s5 =	simm.s32 $0xFFFFFFFF;
	p2 =	slt.u32 s8, $0xFFFFF086  }
0x1c: {  	p1 =	slt.u32 s9, $0xF7A;
	s5 =	simm.s32 @!p2 $0x0  }
0x1d: {  	s5 =	simm.s32 @p1 $0x1;
	p0 =	seq.s32 s7, s2  }
0x1e: {  	s7 =	smul.u32 @!p0 $0xF7A, s2;
	p2 =	seq.s32 @!p0 s5, $0x0  }
0x1f: {  	s9 =	smul.u32 $0xF7A, s1;
	s8 =	simm.s32 @!p0 $0x1BF5;
	p2 =	por !p2, p0  }
0x20: {  	[sflag:s8] =	ssyncset.s32 @!p0 $0xFFFFF086;
	s6 =	sadd.s32 @!p0 s3, s7;
	s7 =	simm.s32 @!p0 $0x108  }
0x21: {  	s3 =	sadd.s32 s3, s9;
	s6 =	sadd.s32 @!p0 $0x88, s6;
	s7 =	simm.s32 @p2 $0x1082  }
0x22: {  	[simem:s7], [sflag:s8] =	dma.local @!p0 [hbm:s6], $0xF7A  }
0x23: {  	s9 =	sor.u32 $0xD0000000, s2;
	s6 =	simm.s32 $0x108;
	_ =	swait.ge @!p0 [sflag:s8], $0x0  }
0x24: {  	s3 =	sadd.s32 $0x88, s3;
	s6 =	simm.s32 @!p1 $0x1082;
	[sflag:s4] =	ssyncset.s32 $0xFFFFF086  }
0x25: {  	[simem:s6], [sflag:s4] =	dma.local [hbm:s3], $0xF7A  }
0x26: {  	[smem:$0x3F9F] =	sst s1;
	(tag) =	ssettag s2;
	_ =	strace s9  }
0x27: {  	s1 =	sld [smem:$0x3FAF]  }
0x28: {  	s2 =	sld [smem:$0x3FB0]  }
0x29: {  	s4 =	sld [smem:$0x3FB2]  }
0x2a: {  	p0 =	seq.s32 s5, $0x0;
	s5 =	sld [smem:$0x3FB3]  }
0x2b: {  	s6 =	sld [smem:$0x3FB4]  }
0x2c: {  	s7 =	sld [smem:$0x3FB5]  }
0x2d: {  	s3 =	simm.s32 $0x108;
	s8 =	sld [smem:$0x3FB6]  }
0x2e: {  	s3 =	simm.s32 @!p0 $0x1082;
	s9 =	sld [smem:$0x3FB7]  }
0x2f: {  	lr =	sadd.s32 s0, s3;
	s0 =	sld [smem:$0x3FAE]  }
0x30: {  	s3 =	sld [smem:$0x3FB1]  }
0x31: {  	[smem:$0x3FBA] =	sst s10  }
0x32: {  	s10 =	sld [smem:$0x3FB8];
	_ =	sdelay $0x3  }
0x33: {  	p0 =	seq.s32 s10, $0x1;
	s10 =	sld [smem:$0x3FBA];
	_ =	sdelay $0x3  }
0x34: {  	[smem:$0x3FBA] =	sst s10  }
0x35: {  	s10 =	sld [smem:$0x3FB9];
	_ =	sdelay $0x3  }
0x36: {  	p1 =	seq.s32 s10, $0x1;
	s10 =	sld [smem:$0x3FBA];
	_ =	sdelay $0x3  }
0x37: {  	[smem:$0x3FBA] =	sst s10  }
0x38: {  	s10 =	sld [smem:$0x3FBB]  }
0x39: {  	_ = 	snop;
	(pc) =	sbr.ind lr, $3  }
0x3a: {  	_ = 	snop  }
0x3b: {  	_ = 	snop  }
0x3c: {  	p2 =	seq.s32 s10, $0x1;
	s10 =	sld [smem:$0x3FBA]  }
0x3d: {  	_ =	shalt  }
0x3e: {  	_ =	shalt  }
0x3f: {  	_ =	shalt  }
0x40: {  	_ =	shalt  }
0x41: {  	_ =	shalt  }
0x42: {  	_ =	shalt  }
0x43: {  	_ =	shalt  }
0x44: {  	_ =	shalt  }
0x45: {  	_ =	shalt  }
0x46: {  	_ =	shalt  }
0x47: {  	_ =	shalt  }
0x48: {  	_ =	shalt  }
0x49: {  	_ =	shalt  }
0x4a: {  	_ =	shalt  }
0x4b: {  	_ =	shalt  }
0x4c: {  	_ =	shalt  }
0x4d: {  	_ =	shalt  }
0x4e: {  	_ =	shalt  }
0x4f: {  	_ =	shalt  }
0x50: {  	_ =	shalt  }
0x51: {  	_ =	shalt  }
0x52: {  	_ =	shalt  }
0x53: {  	_ =	shalt  }
0x54: {  	_ =	shalt  }
0x55: {  	_ =	shalt  }
0x56: {  	_ =	shalt  }
0x57: {  	_ =	shalt  }
0x58: {  	_ =	shalt  }
0x59: {  	_ =	shalt  }
0x5a: {  	_ =	shalt  }
0x5b: {  	_ =	shalt  }
0x5c: {  	_ =	shalt  }
0x5d: {  	_ =	shalt  }
0x5e: {  	_ =	shalt  }
0x5f: {  	_ =	shalt  }
0x60: {  	_ =	shalt  }
0x61: {  	_ =	shalt  }
0x62: {  	_ =	shalt  }
0x63: {  	_ =	shalt  }
0x64: {  	_ =	shalt  }
0x65: {  	_ =	shalt  }
0x66: {  	_ =	shalt  }
0x67: {  	_ =	shalt  }
0x68: {  	_ =	shalt  }
0x69: {  	_ =	shalt  }
0x6a: {  	_ =	shalt  }
0x6b: {  	_ =	shalt  }
0x6c: {  	_ =	shalt  }
0x6d: {  	_ =	shalt  }
0x6e: {  	_ =	shalt  }
0x6f: {  	_ =	shalt  }
0x70: {  	_ =	shalt  }
0x71: {  	_ =	shalt  }
0x72: {  	_ =	shalt  }
0x73: {  	_ =	shalt  }
0x74: {  	_ =	shalt  }
0x75: {  	_ =	shalt  }
0x76: {  	_ =	shalt  }
0x77: {  	_ =	shalt  }
0x78: {  	_ =	shalt  }
0x79: {  	_ =	shalt  }
0x7a: {  	_ =	shalt  }
0x7b: {  	_ =	shalt  }
0x7c: {  	_ =	shalt  }
0x7d: {  	_ =	shalt  }
0x7e: {  	_ =	shalt  }
0x7f: {  	_ =	shalt  }
0x80: {  	_ =	shalt  }
0x81: {  	_ =	shalt  }
0x82: {  	_ =	shalt  }
0x83: {  	_ =	shalt  }
0x84: {  	_ =	shalt  }
0x85: {  	_ =	shalt  }
0x86: {  	_ =	shalt  }
0x87: {  	_ =	shalt  }
.Lfunc_end0:
.L_simem_size_0:
called_computation_lowered:
.L_overlay_start_0:
0x88: {  	s2 =	sld [smem:$0x3FD9]  }
0x89: {  	s3 =	sld [smem:$0x3FFE];
	_ =	sdelay $0x1  }
0x8a: {  	s1 =	srdreg.scid  }
0x8b: {  	s0 =	sand.u32 $0x1, s1  }
0x8c: {  	s17 =	sshll.u32 s0, $0xA;
	s2 =	sadd.s32 s3, s2  }
0x8d: {  	s2 =	sadd.s32 s2, s17  }
0x8e: {  	[smem:$0x3FC6] =	sst s2  }
0x8f: {  	_ = 	snop  }
0x90: {  	s2 =	sld [smem:$0x3FC8]  }
0x91: {  	s18 =	sld [smem:$0x3FD0];
	(tm) =	ssettm $0x1  }
0x92: {  	s4 =	sld [smem:$0x3FFB];
	_ =	sdelay $0x3  }
0x93: {  	_ =	strace s4  }
0x94: {  	s4 =	sld [smem:$0x3FFC];
	_ =	sdelay $0x3  }
0x95: {  	_ =	strace s4  }
0x96: {  	s4 =	sld [smem:$0x3FFD];
	_ =	sdelay $0x3  }
0x97: {  	_ =	strace s4  }
0x98: {  	_ =	strace $0x8FFFFFFF  }
0x99: {  	s19 =	sld [smem:$0x3FDB];
	_ =	sdelay $0x1  }
0x9a: {  	s5 =	simm.s32 $_scs_section_size  }
0x9b: {  	s6 =	simm.s32 $_size__tile_overlayer_lowered;
	s7 =	simm.s32 $_tile_overlayer_lowered  }
0x9c: {  	s22 =	simm.s32 $0x1BFF;
	s21 =	sshll.u32 s7, $0x1;
	s4 =	sadd.s32 s5, s19  }
0x9d: {  	s8 =	simm.s32 $0x0;
	s20 =	sshll.u32 s6, $0x1;
	s6 =	sadd.s32 s21, s4  }
0x9e: {  	[timem:s8], [sflag:s22] =	dma.local [hbm:s6], s20  }
0x9f: {  	_ =	swait.ge [sflag:s22], s20  }
0xa0: {  	s5 =	ssub.s32 $0x0, s20;
	[sflag:s22] =	ssyncset.done $0x0  }
0xa1: {  	[sflag:s22] =	ssyncadd.s32 s5;
	_ =	sdelay $0x1  }
0xa2: {  	s23 =	simm.s32 $0x1B8B  }
0xa3: {  	_ =	swait.ge [sflag:s23], $0x1  }
0xa4: {  	[sflag:s23] =	ssyncset.done $0x0  }
0xa5: {  	s25 =	simm.s32 $0x1B8E;
	s24 =	sld [smem:$0x3FFE];
	[sflag:s23] =	ssyncadd.s32 $0xFFFFFFFF  }
0xa6: {  	s26 =	simm.s32 $execute0_lowered;
	[smem:$0x3FD2] =	sst s25  }
0xa7: {  	s6 =	sshll.u32 s26, $0x1;
	_ =	strace $0x80000046;
	[dreg:$0x1] =	wrdreg $0xFFFFFFFF  }
0xa8: {  	s28 =	simm.s32 $_size_execute0_lowered;
	s4 =	sadd.s32 s4, s6;
	[dreg:$0x0] =	wrdreg $0x0  }
0xa9: {  	s6 =	sshll.u32 s28, $0x1;
	[dreg:$0x2] =	wrdreg s4  }
0xaa: {  	[dreg:$0x3] =	wrdreg s6  }
0xab: {  	[dreg:$0x4] =	wrdreg $0xC0  }
0xac: {  	_ =	task [dreg:s8], $0x5FFFF  }
0xad: {  	[dreg:$0x1] =	wrdreg $0xFFFFFFFF  }
0xae: {  	[dreg:$0x0] =	wrdreg $0x60  }
0xaf: {  	[dreg:$0x2] =	wrdreg s2  }
0xb0: {  	[dreg:$0x3] =	wrdreg s24  }
0xb1: {  	[dreg:$0x4] =	wrdreg s18  }
0xb2: {  	[dreg:$0x5] =	wrdreg $0x0  }
0xb3: {  	[dreg:$0x6] =	wrdreg $0x9  }
0xb4: {  	_ =	task.clear_ibuf [dreg:s8], $0x7FFFF;
	_ =	strace $0x90000046  }
0xb5: {  	s29 =	simm.s32 $0x9;
	_ =	strace $0x80000048  }
0xb6: {  	_ =	swait.ge [sflag:s29], $0x1  }
0xb7: {  	[sflag:s29] =	ssyncadd.s32 $0xFFFFFFFF  }
0xb8: {  	_ =	strace $0x90000048  }
0xb9: {  	_ =	sfence  }
0xba: {  	s30 =	sld [smem:$0x0];
	_ =	sdelay $0x2  }
0xbb: {  	s31 =	sshll.u32 s1, $0xD;
	s1 =	sshrl.u32 s1, $0x2  }
0xbc: {  	s3 =	sand.u32 $0x4000, s31;
	s1 =	sadd.s32 s1, s30  }
0xbd: {  	s0 =	sor.u32 s3, s0;
	s1 =	sshll.u32 s1, $0x11  }
0xbe: {  	s0 =	sor.u32 s1, s0  }
0xbf: {  	s0 =	sadd.s32 $0x8F2B, s0  }
0xc0: {  	[sflag:s0] =	ssyncadd.remote.s32 $0x1  }
0xc1: {  	_ =	sfence.sel $0xFFFF  }
0xc2: {  	[dreg:$0x0] =	wrdreg $0xFFFFFFFF;
	(pc) =	sbr.abs _section_cstart, $3  }
0xc3: {  	[dreg:$0x1] =	wrdreg $0xFFFFFFFF  }
0xc4: {  	_ =	task.clear_ibuf [dreg:s8], $0x2FFFF;
	_ =	strace $0x9FFFFFFF  }
0xc5: {  	(tm) =	ssettm $0x7FFFFFFF  }
tec
execute0_lowered:
.L_overlay_start_1:
0x0: {  	(tag) =	ssettag $0x1  }
0x1: {  	s0 =	rddreg [dreg:$0x1];
	s1 =	srdreg.scid  }
0x2: {  	s13 =	stileid.u32;
	s12 =	rddreg [dreg:$0x2]  }
0x3: {  	s2 =	rddreg [dreg:$0x3];
	s15 =	simm.s32 $0x78;
	s16 =	simm.s32 $0x3  }
0x4: {  	s17 =	simm.s32 $0x50;
	s18 =	simm.s32 $0x6478;
	s20 =	simm.s32 $0x8C78  }
0x5: {  	s22 =	simm.s32 $0xB478;
	s24 =	simm.s32 $0xDC78;
	s26 =	simm.s32 $0x10478  }
0x6: {  	s29 =	simm.s32 $0x12C78;
	s31 =	simm.s32 $0x15478;
	s19 =	simm.s32 $0x1  }
0x7: {  	s21 =	simm.s32 $0x2;
	s23 =	simm.s32 $0x0;
	s1 =	sand.u32 $0x1, s1  }
0x8: {  	s3 =	sshll.u32 s13, $0x1;
	s30 =	smul.u32 $0xC8000, s13;
	p0 =	sne.s32 s13, $0x0  }
0x9: {  	s4 =	sor.u32 s1, s3;
	s6 =	ssub.s32 $0x2, s1;
	s1 =	smul.u32 $0x64000, s1  }
0xa: {  	s3 =	simm.s32 $0x0;
	s5 =	smul.u32 $0x6400, s4;
	s28 =	sshrl.u32 s6, $0x1  }
0xb: {  	[smem:$0x7FF] =	sst s3;
	s7 =	smul.u32 $0x64000, s4;
	s14 =	ssub.s32 s6, s28  }
0xc: {  	_ =	strace $0x80000047;
	s5 =	sshrl.u32 s5, $0x3;
	s13 =	smax.u32 s14, $0x1  }
0xd: {  	s14 =	sshrl.u32 @!p0 s2, $0x3;
	s0 =	sadd.s32 s5, s0;
	s5 =	sadd.s32 s12, s7  }
0xe: {  	s4 =	sadd.s32 $0x400, s0;
	s6 =	sadd.s32 $0x500, s5;
	s7 =	sadd.s32 $0xA00, s5  }
0xf: {  	s8 =	sadd.s32 $0xF00, s5;
	s9 =	sadd.s32 $0x1400, s5;
	s0 =	sadd.s32 s30, s12  }
0x10: {  	s10 =	sadd.s32 $0x1900, s5;
	s11 =	sadd.s32 $0x1E00, s5;
	s0 =	sadd.s32 s1, s0  }
0x11: {  	s12 =	sadd.s32 $0x2300, s5;
	[dreg:$0x5] =	wrdreg s0;
	s0 =	simm.s32 $0x17C78  }
.LBB2_1:
0x12: {  	s25 =	simm.s32 @!p0 $0x1C03;
	s1 =	rddreg [dreg:$0x0]  }
0x13: {  	[spmem:s14], [sflag:s25] =	dma.local @!p0 [hbm:s1], $0xF0  }
0x14: {  	s25 =	simm.s32 @!p0 $0x3  }
0x15: {  	_ =	swait.ge @!p0 [sflag:s25], $0xF0  }
0x16: {  	[sflag:s25] =	ssyncset.done @!p0 $0x0  }
0x17: {  	[sflag:s25] =	ssyncadd.s32 @!p0 $0xFFFFFF10  }
0x18: {  	[tilespmem:s15], [sflag:$0x3] =	stream.linear.gather [hbm4b:s4+s3], $0x6400, $0x38;
	[tilespmem:$0x1A478] =	vst v63  }
0x19: {  	_ =	swait.ge [sflag:s16], $0x6400  }
0x1a: {  	[sflag:s16] =	ssyncset.done $0x0  }
0x1b: {  	[sflag:s16] =	ssyncadd.s32 $0xFFFF9C00  }
0x1c: {  	[bflag:$0x0] =	sbarrier.arrive $0xFFFF  }
0x1d: {  	[tilespmem:s18], [sflag:$0x1] =	stream.indirect.gather [spmem:s2], $0x80, s15, s17, $0xb8;
	[tilespmem:$0x1A478] =	vst v63  }
0x1e: {  	s25 =	simm.s32 $0xC8  }
0x1f: {  	[tilespmem:s20], [sflag:$0x1] =	stream.indirect.gather [spmem:s2], $0x80, s25, s17, $0xb8;
	[tilespmem:$0x1A478] =	vst v63  }
0x20: {  	s25 =	simm.s32 $0x118  }
0x21: {  	[tilespmem:s22], [sflag:$0x1] =	stream.indirect.gather [spmem:s2], $0x80, s25, s17, $0xb8;
	[tilespmem:$0x1A478] =	vst v63  }
0x22: {  	s25 =	simm.s32 $0x168  }
0x23: {  	[tilespmem:s24], [sflag:$0x1] =	stream.indirect.gather [spmem:s2], $0x80, s25, s17, $0xb8;
	[tilespmem:$0x1A478] =	vst v63  }
0x24: {  	s25 =	simm.s32 $0x1B8  }
0x25: {  	[tilespmem:s26], [sflag:$0x1] =	stream.indirect.gather [spmem:s2], $0x80, s25, s17, $0xb8;
	[tilespmem:$0x1A478] =	vst v63  }
0x26: {  	s25 =	simm.s32 $0x208  }
0x27: {  	[tilespmem:s29], [sflag:$0x1] =	stream.indirect.gather [spmem:s2], $0x80, s25, s17, $0xb8;
	[tilespmem:$0x1A478] =	vst v63  }
0x28: {  	s25 =	simm.s32 $0x258  }
0x29: {  	[tilespmem:s31], [sflag:$0x1] =	stream.indirect.gather [spmem:s2], $0x80, s25, s17, $0xb8;
	[tilespmem:$0x1A478] =	vst v63  }
0x2a: {  	s25 =	simm.s32 $0x2A8  }
0x2b: {  	[tilespmem:s0], [sflag:$0x1] =	stream.indirect.gather [spmem:s2], $0x80, s25, s17, $0xb8;
	[tilespmem:$0x1A478] =	vst v63  }
0x2c: {  	_ =	swait.ge [sflag:s19], $0x2800  }
0x2d: {  	[sflag:s19] =	ssyncset.done $0x0  }
0x2e: {  	[sflag:s19] =	ssyncadd.s32 $0xFFFFD800  }
0x2f: {  	[hbm4b:s5+s3] =	stream.linear.scatter [tilespmem:s18], [sflag:$0x2], $0x2800, $0x38;
	[tilespmem:$0x1A478] =	vst v63  }
0x30: {  	_ =	swait.ge [sflag:s19], $0x2800  }
0x31: {  	[sflag:s19] =	ssyncset.done $0x0  }
0x32: {  	[sflag:s19] =	ssyncadd.s32 $0xFFFFD800  }
0x33: {  	[hbm4b:s6+s3] =	stream.linear.scatter [tilespmem:s20], [sflag:$0x2], $0x2800, $0x38;
	[tilespmem:$0x1A478] =	vst v63  }
0x34: {  	_ =	swait.ge [sflag:s19], $0x2800  }
0x35: {  	[sflag:s19] =	ssyncset.done $0x0  }
0x36: {  	[sflag:s19] =	ssyncadd.s32 $0xFFFFD800  }
0x37: {  	[hbm4b:s7+s3] =	stream.linear.scatter [tilespmem:s22], [sflag:$0x2], $0x2800, $0x38;
	[tilespmem:$0x1A478] =	vst v63  }
0x38: {  	_ =	swait.ge [sflag:s19], $0x2800  }
0x39: {  	[sflag:s19] =	ssyncset.done $0x0  }
0x3a: {  	[sflag:s19] =	ssyncadd.s32 $0xFFFFD800  }
0x3b: {  	[hbm4b:s8+s3] =	stream.linear.scatter [tilespmem:s24], [sflag:$0x2], $0x2800, $0x38;
	[tilespmem:$0x1A478] =	vst v63  }
0x3c: {  	_ =	swait.ge [sflag:s19], $0x2800  }
0x3d: {  	[sflag:s19] =	ssyncset.done $0x0  }
0x3e: {  	[sflag:s19] =	ssyncadd.s32 $0xFFFFD800  }
0x3f: {  	[hbm4b:s9+s3] =	stream.linear.scatter [tilespmem:s26], [sflag:$0x2], $0x2800, $0x38;
	[tilespmem:$0x1A478] =	vst v63  }
0x40: {  	_ =	swait.ge [sflag:s19], $0x2800  }
0x41: {  	[sflag:s19] =	ssyncset.done $0x0  }
0x42: {  	[sflag:s19] =	ssyncadd.s32 $0xFFFFD800  }
0x43: {  	[hbm4b:s10+s3] =	stream.linear.scatter [tilespmem:s29], [sflag:$0x2], $0x2800, $0x38;
	[tilespmem:$0x1A478] =	vst v63  }
0x44: {  	_ =	swait.ge [sflag:s19], $0x2800  }
0x45: {  	[sflag:s19] =	ssyncset.done $0x0  }
0x46: {  	[sflag:s19] =	ssyncadd.s32 $0xFFFFD800  }
0x47: {  	[hbm4b:s11+s3] =	stream.linear.scatter [tilespmem:s31], [sflag:$0x2], $0x2800, $0x38;
	[tilespmem:$0x1A478] =	vst v63  }
0x48: {  	_ =	swait.ge [sflag:s19], $0x2800  }
0x49: {  	[sflag:s19] =	ssyncset.done $0x0  }
0x4a: {  	[sflag:s19] =	ssyncadd.s32 $0xFFFFD800  }
0x4b: {  	[hbm4b:s12+s3] =	stream.linear.scatter [tilespmem:s0], [sflag:$0x2], $0x2800, $0x38;
	[tilespmem:$0x1A478] =	vst v63  }
0x4c: {  	_ =	swait.ge [sflag:s21], $0x2800  }
0x4d: {  	[sflag:s21] =	ssyncset.done $0x0  }
0x4e: {  	s1 =	simm.s32 $0x2F8;
	[sflag:s21] =	ssyncadd.s32 $0xFFFFD800  }
0x4f: {  	[tilespmem:s18], [sflag:$0x1] =	stream.indirect.gather [spmem:s2], $0x80, s1, s17, $0xb8;
	[tilespmem:$0x1A478] =	vst v63  }
0x50: {  	_ =	swait.ge [sflag:s21], $0x2800  }
0x51: {  	[sflag:s21] =	ssyncset.done $0x0  }
0x52: {  	s1 =	simm.s32 $0x348;
	[sflag:s21] =	ssyncadd.s32 $0xFFFFD800  }
0x53: {  	[tilespmem:s20], [sflag:$0x1] =	stream.indirect.gather [spmem:s2], $0x80, s1, s17, $0xb8;
	[tilespmem:$0x1A478] =	vst v63  }
0x54: {  	_ =	swait.ge [sflag:s21], $0x2800  }
0x55: {  	[sflag:s21] =	ssyncset.done $0x0  }
0x56: {  	s1 =	simm.s32 $0x398;
	[sflag:s21] =	ssyncadd.s32 $0xFFFFD800  }
0x57: {  	[tilespmem:s22], [sflag:$0x1] =	stream.indirect.gather [spmem:s2], $0x80, s1, s17, $0xb8;
	[tilespmem:$0x1A478] =	vst v63  }
0x58: {  	_ =	swait.ge [sflag:s21], $0x2800  }
0x59: {  	[sflag:s21] =	ssyncset.done $0x0  }
0x5a: {  	s1 =	simm.s32 $0x3E8;
	[sflag:s21] =	ssyncadd.s32 $0xFFFFD800  }
0x5b: {  	[tilespmem:s24], [sflag:$0x1] =	stream.indirect.gather [spmem:s2], $0x80, s1, s17, $0xb8;
	[tilespmem:$0x1A478] =	vst v63  }
0x5c: {  	_ =	swait.ge [sflag:s21], $0x2800  }
0x5d: {  	[sflag:s21] =	ssyncset.done $0x0  }
0x5e: {  	s1 =	simm.s32 $0x438;
	[sflag:s21] =	ssyncadd.s32 $0xFFFFD800  }
0x5f: {  	[tilespmem:s26], [sflag:$0x1] =	stream.indirect.gather [spmem:s2], $0x80, s1, s17, $0xb8;
	[tilespmem:$0x1A478] =	vst v63  }
0x60: {  	_ =	swait.ge [sflag:s21], $0x2800  }
0x61: {  	[sflag:s21] =	ssyncset.done $0x0  }
0x62: {  	s1 =	simm.s32 $0x488;
	[sflag:s21] =	ssyncadd.s32 $0xFFFFD800  }
0x63: {  	[tilespmem:s29], [sflag:$0x1] =	stream.indirect.gather [spmem:s2], $0x80, s1, s17, $0xb8;
	[tilespmem:$0x1A478] =	vst v63  }
0x64: {  	_ =	swait.ge [sflag:s21], $0x2800  }
0x65: {  	[sflag:s21] =	ssyncset.done $0x0  }
0x66: {  	s1 =	simm.s32 $0x4D8;
	[sflag:s21] =	ssyncadd.s32 $0xFFFFD800  }
0x67: {  	[tilespmem:s31], [sflag:$0x1] =	stream.indirect.gather [spmem:s2], $0x80, s1, s17, $0xb8;
	[tilespmem:$0x1A478] =	vst v63  }
0x68: {  	_ =	swait.ge [sflag:s21], $0x2800  }
0x69: {  	[sflag:s21] =	ssyncset.done $0x0  }
0x6a: {  	s1 =	simm.s32 $0x528;
	[sflag:s21] =	ssyncadd.s32 $0xFFFFD800  }
0x6b: {  	[tilespmem:s0], [sflag:$0x1] =	stream.indirect.gather [spmem:s2], $0x80, s1, s17, $0xb8;
	[tilespmem:$0x1A478] =	vst v63  }
0x6c: {  	_ =	swait.ge [sflag:s19], $0x2800  }
0x6d: {  	s1 =	rddreg [dreg:$0x5]  }
0x6e: {  	[sflag:s19] =	ssyncset.done $0x0;
	s28 =	sadd.s32 $0x0, s1  }
0x6f: {  	[sflag:s19] =	ssyncadd.s32 $0xFFFFD800;
	s25 =	sadd.s32 $0x2800, s28  }
0x70: {  	[hbm4b:s25+s3] =	stream.linear.scatter [tilespmem:s18], [sflag:$0x2], $0x2800, $0x38;
	[tilespmem:$0x1A478] =	vst v63  }
0x71: {  	_ =	swait.ge [sflag:s19], $0x2800  }
0x72: {  	[sflag:s19] =	ssyncset.done $0x0  }
0x73: {  	s1 =	sadd.s32 $0x2D00, s28;
	[sflag:s19] =	ssyncadd.s32 $0xFFFFD800  }
0x74: {  	[hbm4b:s1+s3] =	stream.linear.scatter [tilespmem:s20], [sflag:$0x2], $0x2800, $0x38;
	[tilespmem:$0x1A478] =	vst v63  }
0x75: {  	_ =	swait.ge [sflag:s19], $0x2800  }
0x76: {  	[sflag:s19] =	ssyncset.done $0x0  }
0x77: {  	s1 =	sadd.s32 $0x3200, s28;
	[sflag:s19] =	ssyncadd.s32 $0xFFFFD800  }
0x78: {  	[hbm4b:s1+s3] =	stream.linear.scatter [tilespmem:s22], [sflag:$0x2], $0x2800, $0x38;
	[tilespmem:$0x1A478] =	vst v63  }
0x79: {  	_ =	swait.ge [sflag:s19], $0x2800  }
0x7a: {  	[sflag:s19] =	ssyncset.done $0x0  }
0x7b: {  	s1 =	sadd.s32 $0x3700, s28;
	[sflag:s19] =	ssyncadd.s32 $0xFFFFD800  }
0x7c: {  	[hbm4b:s1+s3] =	stream.linear.scatter [tilespmem:s24], [sflag:$0x2], $0x2800, $0x38;
	[tilespmem:$0x1A478] =	vst v63  }
0x7d: {  	_ =	swait.ge [sflag:s19], $0x2800  }
0x7e: {  	[sflag:s19] =	ssyncset.done $0x0  }
0x7f: {  	s1 =	sadd.s32 $0x3C00, s28;
	[sflag:s19] =	ssyncadd.s32 $0xFFFFD800  }
0x80: {  	[hbm4b:s1+s3] =	stream.linear.scatter [tilespmem:s26], [sflag:$0x2], $0x2800, $0x38;
	[tilespmem:$0x1A478] =	vst v63  }
0x81: {  	_ =	swait.ge [sflag:s19], $0x2800  }
0x82: {  	[sflag:s19] =	ssyncset.done $0x0  }
0x83: {  	s1 =	sadd.s32 $0x4100, s28;
	[sflag:s19] =	ssyncadd.s32 $0xFFFFD800  }
0x84: {  	[hbm4b:s1+s3] =	stream.linear.scatter [tilespmem:s29], [sflag:$0x2], $0x2800, $0x38;
	[tilespmem:$0x1A478] =	vst v63  }
0x85: {  	_ =	swait.ge [sflag:s19], $0x2800  }
0x86: {  	[sflag:s19] =	ssyncset.done $0x0  }
0x87: {  	s1 =	sadd.s32 $0x4600, s28;
	[sflag:s19] =	ssyncadd.s32 $0xFFFFD800  }
0x88: {  	[hbm4b:s1+s3] =	stream.linear.scatter [tilespmem:s31], [sflag:$0x2], $0x2800, $0x38;
	[tilespmem:$0x1A478] =	vst v63  }
0x89: {  	_ =	swait.ge [sflag:s19], $0x2800  }
0x8a: {  	s30 =	sadd.s32 $0x4B00, s28;
	[sflag:s19] =	ssyncset.done $0x0  }
0x8b: {  	s25 =	simm.s32 $0x2800;
	s28 =	simm.s32 $0x7A8;
	[sflag:s19] =	ssyncadd.s32 $0xFFFFD800  }
.LBB2_2:
0x8c: {  	[hbm4b:s30+s3] =	stream.linear.scatter [tilespmem:s0], [sflag:$0x2], $0x2800, $0x38;
	[tilespmem:$0x1A478] =	vst v63  }
0x8d: {  	_ =	swait.ge [sflag:s21], $0x2800  }
0x8e: {  	[sflag:s21] =	ssyncset.done $0x0  }
0x8f: {  	s1 =	sadd.s32 $0xFFFFFDD0, s28;
	[sflag:s21] =	ssyncadd.s32 $0xFFFFD800  }
0x90: {  	[tilespmem:s18], [sflag:$0x1] =	stream.indirect.gather [spmem:s2], $0x80, s1, s17, $0xb8;
	[tilespmem:$0x1A478] =	vst v63  }
0x91: {  	_ =	swait.ge [sflag:s21], $0x2800  }
0x92: {  	[sflag:s21] =	ssyncset.done $0x0  }
0x93: {  	s1 =	sadd.s32 $0xFFFFFE20, s28;
	[sflag:s21] =	ssyncadd.s32 $0xFFFFD800  }
0x94: {  	[tilespmem:s20], [sflag:$0x1] =	stream.indirect.gather [spmem:s2], $0x80, s1, s17, $0xb8;
	[tilespmem:$0x1A478] =	vst v63  }
0x95: {  	_ =	swait.ge [sflag:s21], $0x2800  }
0x96: {  	[sflag:s21] =	ssyncset.done $0x0  }
0x97: {  	s1 =	sadd.s32 $0xFFFFFE70, s28;
	[sflag:s21] =	ssyncadd.s32 $0xFFFFD800  }
0x98: {  	[tilespmem:s22], [sflag:$0x1] =	stream.indirect.gather [spmem:s2], $0x80, s1, s17, $0xb8;
	[tilespmem:$0x1A478] =	vst v63  }
0x99: {  	_ =	swait.ge [sflag:s21], $0x2800  }
0x9a: {  	[sflag:s21] =	ssyncset.done $0x0  }
0x9b: {  	s1 =	sadd.s32 $0xFFFFFEC0, s28;
	[sflag:s21] =	ssyncadd.s32 $0xFFFFD800  }
0x9c: {  	[tilespmem:s24], [sflag:$0x1] =	stream.indirect.gather [spmem:s2], $0x80, s1, s17, $0xb8;
	[tilespmem:$0x1A478] =	vst v63  }
0x9d: {  	_ =	swait.ge [sflag:s21], $0x2800  }
0x9e: {  	[sflag:s21] =	ssyncset.done $0x0  }
0x9f: {  	s1 =	sadd.s32 $0xFFFFFF10, s28;
	[sflag:s21] =	ssyncadd.s32 $0xFFFFD800  }
0xa0: {  	[tilespmem:s26], [sflag:$0x1] =	stream.indirect.gather [spmem:s2], $0x80, s1, s17, $0xb8;
	[tilespmem:$0x1A478] =	vst v63  }
0xa1: {  	_ =	swait.ge [sflag:s21], $0x2800  }
0xa2: {  	[sflag:s21] =	ssyncset.done $0x0  }
0xa3: {  	s1 =	sadd.s32 $0xFFFFFF60, s28;
	[sflag:s21] =	ssyncadd.s32 $0xFFFFD800  }
0xa4: {  	[tilespmem:s29], [sflag:$0x1] =	stream.indirect.gather [spmem:s2], $0x80, s1, s17, $0xb8;
	[tilespmem:$0x1A478] =	vst v63  }
0xa5: {  	_ =	swait.ge [sflag:s21], $0x2800  }
0xa6: {  	[sflag:s21] =	ssyncset.done $0x0  }
0xa7: {  	s1 =	sadd.s32 $0xFFFFFFB0, s28;
	[sflag:s21] =	ssyncadd.s32 $0xFFFFD800  }
0xa8: {  	[tilespmem:s31], [sflag:$0x1] =	stream.indirect.gather [spmem:s2], $0x80, s1, s17, $0xb8;
	[tilespmem:$0x1A478] =	vst v63  }
0xa9: {  	_ =	swait.ge [sflag:s21], $0x2800  }
0xaa: {  	[sflag:s21] =	ssyncset.done $0x0  }
0xab: {  	[sflag:s21] =	ssyncadd.s32 $0xFFFFD800  }
0xac: {  	[tilespmem:s0], [sflag:$0x1] =	stream.indirect.gather [spmem:s2], $0x80, s28, s17, $0xb8;
	[tilespmem:$0x1A478] =	vst v63  }
0xad: {  	_ =	swait.ge [sflag:s19], $0x2800  }
0xae: {  	s30 =	smov.u32 s25;
	s1 =	rddreg [dreg:$0x5]  }
0xaf: {  	[sflag:s19] =	ssyncset.done $0x0;
	s30 =	sadd.s32 s30, s1  }
0xb0: {  	[sflag:s19] =	ssyncadd.s32 $0xFFFFD800;
	s1 =	sadd.s32 $0x2800, s30  }
0xb1: {  	[hbm4b:s1+s3] =	stream.linear.scatter [tilespmem:s18], [sflag:$0x2], $0x2800, $0x38;
	[tilespmem:$0x1A478] =	vst v63  }
0xb2: {  	_ =	swait.ge [sflag:s19], $0x2800  }
0xb3: {  	[sflag:s19] =	ssyncset.done $0x0  }
0xb4: {  	s1 =	sadd.s32 $0x2D00, s30;
	[sflag:s19] =	ssyncadd.s32 $0xFFFFD800  }
0xb5: {  	[hbm4b:s1+s3] =	stream.linear.scatter [tilespmem:s20], [sflag:$0x2], $0x2800, $0x38;
	[tilespmem:$0x1A478] =	vst v63  }
0xb6: {  	_ =	swait.ge [sflag:s19], $0x2800  }
0xb7: {  	[sflag:s19] =	ssyncset.done $0x0  }
0xb8: {  	s1 =	sadd.s32 $0x3200, s30;
	[sflag:s19] =	ssyncadd.s32 $0xFFFFD800  }
0xb9: {  	[hbm4b:s1+s3] =	stream.linear.scatter [tilespmem:s22], [sflag:$0x2], $0x2800, $0x38;
	[tilespmem:$0x1A478] =	vst v63  }
0xba: {  	_ =	swait.ge [sflag:s19], $0x2800  }
0xbb: {  	[sflag:s19] =	ssyncset.done $0x0  }
0xbc: {  	s1 =	sadd.s32 $0x3700, s30;
	[sflag:s19] =	ssyncadd.s32 $0xFFFFD800  }
0xbd: {  	[hbm4b:s1+s3] =	stream.linear.scatter [tilespmem:s24], [sflag:$0x2], $0x2800, $0x38;
	[tilespmem:$0x1A478] =	vst v63  }
0xbe: {  	_ =	swait.ge [sflag:s19], $0x2800  }
0xbf: {  	[sflag:s19] =	ssyncset.done $0x0  }
0xc0: {  	s1 =	sadd.s32 $0x3C00, s30;
	[sflag:s19] =	ssyncadd.s32 $0xFFFFD800  }
0xc1: {  	[hbm4b:s1+s3] =	stream.linear.scatter [tilespmem:s26], [sflag:$0x2], $0x2800, $0x38;
	[tilespmem:$0x1A478] =	vst v63  }
0xc2: {  	_ =	swait.ge [sflag:s19], $0x2800  }
0xc3: {  	[sflag:s19] =	ssyncset.done $0x0  }
0xc4: {  	s1 =	sadd.s32 $0x4100, s30;
	[sflag:s19] =	ssyncadd.s32 $0xFFFFD800  }
0xc5: {  	[hbm4b:s1+s3] =	stream.linear.scatter [tilespmem:s29], [sflag:$0x2], $0x2800, $0x38;
	[tilespmem:$0x1A478] =	vst v63  }
0xc6: {  	_ =	swait.ge [sflag:s19], $0x2800  }
0xc7: {  	p1 =	sne.s32 s25, $0x5F000;
	[sflag:s19] =	ssyncset.done $0x0  }
.Ltmp0:
0xc8: {  	s1 =	sadd.s32 $0x4600, s30;
	[sflag:s19] =	ssyncadd.s32 $0xFFFFD800;
	(pc) =	sbr.rel @p1 .LBB2_2-.Ltmp0, $4  }
0xc9: {  	[hbm4b:s1+s3] =	stream.linear.scatter [tilespmem:s31], [sflag:$0x2], $0x2800, $0x38;
	[tilespmem:$0x1A478] =	vst v63  }
0xca: {  	_ =	swait.ge [sflag:s19], $0x2800  }
0xcb: {  	s25 =	sadd.s32 $0x2800, s25;
	[sflag:s19] =	ssyncset.done $0x0  }
0xcc: {  	s28 =	sadd.s32 $0x280, s28;
	s30 =	sadd.s32 $0x4B00, s30;
	[sflag:s19] =	ssyncadd.s32 $0xFFFFD800  }
0xcd: {  	[hbm4b:s30+s3] =	stream.linear.scatter [tilespmem:s0], [sflag:$0x2], $0x2800, $0x38;
	[tilespmem:$0x1A478] =	vst v63  }
0xce: {  	_ =	swait.ge [sflag:s21], $0x2800  }
0xcf: {  	[sflag:s21] =	ssyncset.done $0x0  }
0xd0: {  	[sflag:s21] =	ssyncadd.s32 $0xFFFFD800  }
0xd1: {  	_ =	swait.ge [sflag:s21], $0x2800  }
0xd2: {  	[sflag:s21] =	ssyncset.done $0x0  }
0xd3: {  	[sflag:s21] =	ssyncadd.s32 $0xFFFFD800  }
0xd4: {  	_ =	swait.ge [sflag:s21], $0x2800  }
0xd5: {  	[sflag:s21] =	ssyncset.done $0x0  }
0xd6: {  	[sflag:s21] =	ssyncadd.s32 $0xFFFFD800  }
0xd7: {  	_ =	swait.ge [sflag:s21], $0x2800  }
0xd8: {  	[sflag:s21] =	ssyncset.done $0x0  }
0xd9: {  	[sflag:s21] =	ssyncadd.s32 $0xFFFFD800  }
0xda: {  	_ =	swait.ge [sflag:s21], $0x2800  }
0xdb: {  	[sflag:s21] =	ssyncset.done $0x0  }
0xdc: {  	[sflag:s21] =	ssyncadd.s32 $0xFFFFD800  }
0xdd: {  	_ =	swait.ge [sflag:s21], $0x2800  }
0xde: {  	[sflag:s21] =	ssyncset.done $0x0  }
0xdf: {  	s23 =	sadd.s32 $0x1, s23;
	[sflag:s21] =	ssyncadd.s32 $0xFFFFD800  }
0xe0: {  	p1 =	sne.s32 s23, s13;
	_ =	swait.ge [sflag:s21], $0x2800  }
.Ltmp1:
0xe1: {  	[sflag:s21] =	ssyncset.done $0x0;
	(pc) =	sbr.rel @p1 .LBB2_1-.Ltmp1, $4  }
0xe2: {  	[sflag:s21] =	ssyncadd.s32 $0xFFFFD800  }
0xe3: {  	_ =	swait.ge [sflag:s21], $0x2800  }
0xe4: {  	[sflag:s21] =	ssyncset.done $0x0  }
0xe5: {  	[sflag:s21] =	ssyncadd.s32 $0xFFFFD800  }
0xe6: {  	_ =	sfence.sel $0x180000  }
0xe7: {  	[bflag:$0x0] =	sbarrier.arrive $0xFFFF  }
0xe8: {  	_ =	strace $0x90000047  }
0xe9: {  	[bflag:$0x2] =	sbarrier.arrive $0xFFFF  }
0xea: {  	s0 =	rddreg [dreg:$0x4]  }
0xeb: {  	s0 =	sadd.s32 @!p0 $0x100000, s0  }
0xec: {  	[sflag:s0] =	ssyncadd.tile.s32 @!p0 $0x1;
	_ =	shalt  }
.Lfunc_end2:
_tile_overlayer_lowered:
.L_overlay_start_2:
0xed: {  	(tag) =	ssettag $0x2  }
0xee: {  	s0 =	rddreg [dreg:$0x0];
	s2 =	stileid.u32  }
0xef: {  	s1 =	rddreg [dreg:$0x1];
	p0 =	sne.s32 s2, $0x0  }
0xf0: {  	s3 =	rddreg [dreg:$0x2];
	[bflag:$0x3] =	sbarrier.arrive $0xFFFF;
	s2 =	simm.s32 @!p0 $0x1C03  }
0xf1: {  	[timem:s3], [sflag:s2] =	dma.local @!p0 [hbm:s0], s1  }
0xf2: {  	s0 =	simm.s32 @!p0 $0x3  }
0xf3: {  	_ =	swait.ge @!p0 [sflag:s0], s1  }
0xf4: {  	s1 =	ssub.s32 @!p0 $0x0, s1;
	[sflag:s0] =	ssyncset.done @!p0 $0x0  }
0xf5: {  	[sflag:s0] =	ssyncadd.s32 @!p0 s1  }
0xf6: {  	[bflag:$0x3] =	sbarrier.arrive $0xFFFF  }
0xf7: {  	_ =	shalt  }

</sc_bundles>
